<compile_context>
chip_gen: v7x
topology: tpu7x:2x2x1
jax: 0.10.2.dev20260603
libtpu: 0.0.44.dev20260713+nightly
codegen_flags: <defaults>
</compile_context>

<pallas_src>
import functools

import jax
import jax.numpy as jnp
from jax import lax
from jax.experimental import pallas as pl
from jax.experimental.pallas import tpu as pltpu
from jax.experimental.pallas import tpu_sc as plsc

_TABLE = (
    -1.0, -0.6961929798126221, -0.5250729918479919, -0.39491742849349976,
    -0.2844412624835968, -0.18477341532707214, -0.09104993939399719, 0.0,
    0.07958030700683594, 0.16093018651008606, 0.24611227214336395,
    0.33791524171829224, 0.44070979952812195, 0.5626168251037598,
    0.7229567170143127, 1.0,
)
_MID = (
    -0.848096489906311, -0.610632985830307, -0.45999521017074585,
    -0.3396793454885483, -0.23460733890533447, -0.13791167736053467,
    -0.045524969696998596, 0.03979015350341797, 0.120255246758461,
    0.203521229326725, 0.2920137569308281, 0.3893125206232071,
    0.5016633123159409, 0.6427867710590363, 0.8614783585071564,
)

_HEAP = (0.0, _MID[7], _MID[3], _MID[11], _MID[1], _MID[5], _MID[9],
         _MID[13], _MID[0], _MID[2], _MID[4], _MID[6], _MID[8], _MID[10],
         _MID[12], _MID[14])

BLOCK = 64
_NC, _NS = 2, 16
_NW = _NC * _NS
_CHUNK_ROWS = 16
_SC_ROWS = 1536


def _chain(v):
    d = jnp.full(v.shape, jnp.float32(_TABLE[15]), jnp.float32)
    for i in range(14, -1, -1):
        d = jnp.where(v > jnp.float32(_MID[i]), d, jnp.float32(_TABLE[i]))
    return d


def _bf16_bits(x_f32):
    xi = lax.bitcast_convert_type(x_f32, jnp.int32)
    r = xi + 0x7FFF + (lax.shift_right_logical(xi, 16) & 1)
    return lax.shift_right_logical(r, 16)


def _sc_row_block(wv, row, col, iota, heap_vec, tab_vec):
    g = [wv[row, pl.ds(pl.multiple_of(col + 16 * k, 16), 16)]
         for k in range(4)]
    m = jnp.maximum(jnp.maximum(jnp.abs(g[0]), jnp.abs(g[1])),
                    jnp.maximum(jnp.abs(g[2]), jnp.abs(g[3])))
    for st in (8, 4, 2, 1):
        m = jnp.maximum(m, jnp.take(m, iota ^ st))
    rs = jnp.float32(1.0) / m
    out = []
    for k in range(4):
        v = g[k] * rs
        j = jnp.full((16,), 1, jnp.int32)
        for _lvl in range(4):
            t = jnp.take(heap_vec, j)
            j = j + j + jnp.where(v > t, 1, 0)
        d = jnp.take(tab_vec, j - 16) * m
        out.append(_bf16_bits(d))
    return out


def _sc_dequant_body(w_hbm, out_hbm, wv, ov):
    wid = lax.axis_index("s") * _NC + lax.axis_index("c")
    ncols = w_hbm.shape[1]
    rows_per_w = _SC_ROWS // _NW
    base = wid * rows_per_w

    iota = lax.iota(jnp.int32, 16)

    def const_vec(vals):
        v = jnp.full((16,), jnp.float32(vals[0]), jnp.float32)
        for i in range(1, 16):
            v = jnp.where(iota == i, jnp.float32(vals[i]), v)
        return v

    heap_vec = const_vec(_HEAP)
    tab_vec = const_vec(_TABLE)
    blocks_per_row = ncols // BLOCK
    pairs_per_chunk = _CHUNK_ROWS // 2

    def do_chunk(c, _):
        r0 = pl.multiple_of(base + c * _CHUNK_ROWS, _CHUNK_ROWS)
        pltpu.sync_copy(w_hbm.at[pl.ds(r0, _CHUNK_ROWS)], wv)

        def do_block(i, _):
            pr = i // blocks_per_row
            col = (i % blocks_per_row) * BLOCK
            lo = _sc_row_block(wv, 2 * pr, col, iota, heap_vec, tab_vec)
            hi = _sc_row_block(wv, 2 * pr + 1, col, iota, heap_vec, tab_vec)
            for k in range(4):
                word = lo[k] | lax.shift_left(hi[k], 16)
                ov[pr, pl.ds(pl.multiple_of(col + 16 * k, 16), 16)] = word
            return 0

        lax.fori_loop(0, pairs_per_chunk * blocks_per_row, do_block, 0)
        pltpu.sync_copy(
            ov,
            out_hbm.at[pl.ds(pl.multiple_of(r0 // 2, pairs_per_chunk),
                             pairs_per_chunk)])
        return 0

    lax.fori_loop(0, rows_per_w // _CHUNK_ROWS, do_chunk, 0)


def _block_maxabs(w):
    a = jnp.abs(w)
    lane = jax.lax.broadcasted_iota(jnp.int32, w.shape, 1)
    n = w.shape[1]
    s = 1
    while s < BLOCK:
        a = jnp.maximum(a, pltpu.roll(a, s, 1))
        s *= 2
    b = jnp.where(lane % BLOCK == BLOCK - 1, a, 0.0)
    s = 1
    while s < BLOCK:
        b = jnp.maximum(b, pltpu.roll(b, n - s, 1))
        s *= 2
    return b


def _tc_dequant_body(w_ref, o_ref):
    w = w_ref[...]
    m = _block_maxabs(w)
    o_ref[...] = (_chain(w / m) * m).astype(jnp.bfloat16)


def _xa_body(x_ref, a_ref, xa_ref, xb_ref):
    xb = x_ref[...].astype(jnp.bfloat16)
    xb_ref[...] = xb
    xa_ref[...] = jax.lax.dot_general(
        xb, a_ref[...], (((1,), (1,)), ((), ())),
        preferred_element_type=jnp.float32).astype(jnp.bfloat16)


def _mm_body(n_sc_tiles, x_ref, wsc_ref, wtc_ref, xa_ref, b_ref, bias_ref,
             o_ref):
    o = pl.program_id(0)
    lora = jax.lax.dot_general(
        xa_ref[...], b_ref[...], (((1,), (1,)), ((), ())),
        preferred_element_type=jnp.float32) + bias_ref[...]

    @pl.when(o < n_sc_tiles)
    def _():
        wd = pltpu.bitcast(wsc_ref[...], jnp.bfloat16)
        o_ref[...] = lora + jax.lax.dot_general(
            x_ref[...], wd, (((1,), (1,)), ((), ())),
            preferred_element_type=jnp.float32)

    @pl.when(o >= n_sc_tiles)
    def _():
        o_ref[...] = lora + jax.lax.dot_general(
            x_ref[...], wtc_ref[...], (((1,), (1,)), ((), ())),
            preferred_element_type=jnp.float32)


def kernel(x, W, lora_A, lora_B, bias):
    S, D = x.shape[1], x.shape[2]
    O = W.shape[0]
    R = lora_A.shape[0]

    sc_dequant = functools.partial(
        pl.kernel,
        mesh=plsc.VectorSubcoreMesh(core_axis_name="c", subcore_axis_name="s"),
        out_type=jax.ShapeDtypeStruct((_SC_ROWS // 2, D), jnp.int32),
        scratch_types=[
            pltpu.VMEM((_CHUNK_ROWS, D), jnp.float32),
            pltpu.VMEM((_CHUNK_ROWS // 2, D), jnp.int32),
        ],
    )(_sc_dequant_body)
    Wp_sc = sc_dequant(W)

    TM = 256
    tc_rows = O - _SC_ROWS
    tc_tile0 = _SC_ROWS // TM
    Wd_tc = pl.pallas_call(
        _tc_dequant_body,
        grid=(tc_rows // TM,),
        in_specs=[pl.BlockSpec((TM, D), lambda i: (i + tc_tile0, 0))],
        out_specs=pl.BlockSpec((TM, D), lambda i: (i, 0)),
        out_shape=jax.ShapeDtypeStruct((tc_rows, D), jnp.bfloat16),
    )(W)

    x2 = x.reshape(S, D)
    A = lora_A.astype(jnp.bfloat16)
    B = lora_B.astype(jnp.bfloat16)

    xa, xb = pl.pallas_call(
        _xa_body,
        out_shape=(jax.ShapeDtypeStruct((S, R), jnp.bfloat16),
                   jax.ShapeDtypeStruct((S, D), jnp.bfloat16)),
    )(x2, A)

    TO = 512
    n_sc_tiles = _SC_ROWS // TO
    n_tc_tiles = tc_rows // TO
    bias2 = bias.reshape(1, O)
    y = pl.pallas_call(
        functools.partial(_mm_body, n_sc_tiles),
        grid=(O // TO,),
        in_specs=[
            pl.BlockSpec((S, D), lambda o: (0, 0)),
            pl.BlockSpec((TO // 2, D),
                         lambda o: (jnp.minimum(o, n_sc_tiles - 1), 0)),
            pl.BlockSpec((TO, D),
                         lambda o: (jnp.clip(o - n_sc_tiles, 0,
                                             n_tc_tiles - 1), 0)),
            pl.BlockSpec((S, R), lambda o: (0, 0)),
            pl.BlockSpec((TO, R), lambda o: (o, 0)),
            pl.BlockSpec((1, TO), lambda o: (0, o)),
        ],
        out_specs=pl.BlockSpec((S, TO), lambda o: (0, o)),
        out_shape=jax.ShapeDtypeStruct((S, O), jnp.float32),
        compiler_params=pltpu.CompilerParams(
            dimension_semantics=("arbitrary",)),
    )(xb, Wp_sc, Wd_tc, xa, B, bias2)

    return y.reshape(1, S, O)

# --- scband reference (transcript-rebuilt; emitter-appended) ---
"""Pipeline reference for scband-base-loftq-linear-18683107738177 (READ-ONLY COPY).

The authoritative reference and input builder live on the scoring server;
editing this copy changes nothing except your own understanding.
"""

import jax, jax.numpy as jnp
import numpy as np
from jax.scipy.special import ndtri

NUM_BITS = 4
BLOCK_SIZE = 64
OFFSET = 0.9677083


def create_normal_map():
    # Faithful port of BlockQuantizer.create_normal_map(offset=0.9677083, symmetric=False)
    variations = 2 ** NUM_BITS
    v1 = ndtri(jnp.linspace(OFFSET, 0.5, variations // 2 + 1)[:-1])
    v2 = jnp.zeros((1,), dtype=jnp.float32)
    v3 = -ndtri(jnp.linspace(OFFSET, 0.5, variations // 2)[:-1])
    v = jnp.concatenate([v1.astype(jnp.float32), v2, v3.astype(jnp.float32)])
    v = jnp.sort(v)
    v = v / jnp.max(v)
    return v


def setup_inputs(seed: int = 0) -> dict:
    key = jax.random.key(seed)
    k0, k1, k2, k3, k4 = jax.random.split(key, 5)
    x = jax.random.normal(k0, (1, 2048, 2048), dtype=jnp.float32)
    W = jax.random.normal(k1, (2048, 2048), dtype=jnp.float32)
    lora_A = jax.random.normal(k2, (64, 2048), dtype=jnp.float32)
    lora_B = jax.random.normal(k3, (2048, 64), dtype=jnp.float32)
    bias = jax.random.normal(k4, (2048,), dtype=jnp.float32)
    return {"x": x, "W": W, "lora_A": lora_A, "lora_B": lora_B, "bias": bias}


def quantize_dequantize(W):
    # Faithful port of BlockQuantizer.quantize_block + dequantize for method='normal'
    table = create_normal_map()  # [16] codebook
    wb = W.reshape(-1, BLOCK_SIZE)
    wmax = jnp.max(jnp.abs(wb), axis=-1, keepdims=True)
    wmax = jnp.where(wmax == 0, jnp.ones_like(wmax), wmax)
    divabs = wb / wmax
    num_levels = table.shape[0]
    abs_diff = jnp.abs(divabs[:, :, None] - table.reshape(1, 1, num_levels))
    qweight = jnp.argmin(abs_diff, axis=-1)  # int indices into codebook
    deq = table[qweight] * wmax
    return deq.reshape(W.shape)


def reference(x, W, lora_A, lora_B, bias):
    # BaseLoftqLinear forward: y = x @ dequant(Q(W)).T + (x @ A.T) @ B.T + bias
    W_deq = quantize_dequantize(W)
    y = jnp.einsum("bsd,od->bso", x, W_deq)
    y = y + jnp.einsum("bsr,or->bso", jnp.einsum("bsd,rd->bsr", x, lora_A), lora_B)
    y = y + bias
    return y

if __name__ == "__main__":
    import jax
    _d = setup_inputs()
    print(jax.jit(kernel)(*tuple(_d.values())))

</pallas_src>

<mosaic_0001>
#map = affine_map<(d0, d1) -> (0, 0)>
module attributes {stable_mosaic.version = 14 : i64} {
  func.func @_sc_dequant_body(%arg0: i32, %arg1: i32, %arg2: memref<2048x2048xf32, #tpu.memory_space<hbm>>, %arg3: memref<768x2048xi32, #tpu.memory_space<hbm>>, %arg4: memref<16x2048xf32, #tpu.memory_space<vmem>>, %arg5: memref<8x2048xi32, #tpu.memory_space<vmem>>) attributes {dimension_semantics = [#tpu.dimension_semantics<core_parallel>, #tpu.dimension_semantics<subcore_parallel>], iteration_bounds = array<i64: 2, 16>, scalar_prefetch = 0 : i64, scratch_operands = 2 : i64, tpu.core_type = #tpu.core_type<sc_vector_subcore>, window_params = [{transform_indices = #map}, {transform_indices = #map}]} {
    %mul3A = arith.constant 2 : i32
    %mul3A_0 = arith.muli %arg1, %mul3A : i32
    %add3A = arith.addi %mul3A_0, %arg0 : i32
    %mul3A_1 = arith.constant 48 : i32
    %mul3A_2 = arith.muli %add3A, %mul3A_1 : i32
    %iota3A = tpu.iota {dimensions = array<i32: 0>} : vector<16xi32>
    %broadcast_in_dim3A = arith.constant 0.000000e+00 : f32
    %broadcast_in_dim3A_3 = vector.broadcast %broadcast_in_dim3A : f32 to vector<16xf32>
    %eq3A = arith.constant 1 : i32
    %eq3A_4 = vector.broadcast %eq3A : i32 to vector<16xi32>
    %eq3A_5 = arith.cmpi eq, %iota3A, %eq3A_4 : vector<16xi32>
    %jit3A = arith.constant 0.0397901535 : f32
    %broadcast_in_dim3A_6 = vector.broadcast %jit3A : f32 to vector<16xf32>
    %select_n3A = arith.select %eq3A_5, %broadcast_in_dim3A_6, %broadcast_in_dim3A_3 : vector<16xi1>, vector<16xf32>
    %eq3A_7 = arith.constant 2 : i32
    %eq3A_8 = vector.broadcast %eq3A_7 : i32 to vector<16xi32>
    %eq3A_9 = arith.cmpi eq, %iota3A, %eq3A_8 : vector<16xi32>
    %jit3A_10 = arith.constant -0.33967936 : f32
    %broadcast_in_dim3A_11 = vector.broadcast %jit3A_10 : f32 to vector<16xf32>
    %select_n3A_12 = arith.select %eq3A_9, %broadcast_in_dim3A_11, %select_n3A : vector<16xi1>, vector<16xf32>
    %eq3A_13 = arith.constant 3 : i32
    %eq3A_14 = vector.broadcast %eq3A_13 : i32 to vector<16xi32>
    %eq3A_15 = arith.cmpi eq, %iota3A, %eq3A_14 : vector<16xi32>
    %jit3A_16 = arith.constant 0.389312506 : f32
    %broadcast_in_dim3A_17 = vector.broadcast %jit3A_16 : f32 to vector<16xf32>
    %select_n3A_18 = arith.select %eq3A_15, %broadcast_in_dim3A_17, %select_n3A_12 : vector<16xi1>, vector<16xf32>
    %eq3A_19 = arith.constant 4 : i32
    %eq3A_20 = vector.broadcast %eq3A_19 : i32 to vector<16xi32>
    %eq3A_21 = arith.cmpi eq, %iota3A, %eq3A_20 : vector<16xi32>
    %jit3A_22 = arith.constant -6.106330e-01 : f32
    %broadcast_in_dim3A_23 = vector.broadcast %jit3A_22 : f32 to vector<16xf32>
    %select_n3A_24 = arith.select %eq3A_21, %broadcast_in_dim3A_23, %select_n3A_18 : vector<16xi1>, vector<16xf32>
    %eq3A_25 = arith.constant 5 : i32
    %eq3A_26 = vector.broadcast %eq3A_25 : i32 to vector<16xi32>
    %eq3A_27 = arith.cmpi eq, %iota3A, %eq3A_26 : vector<16xi32>
    %jit3A_28 = arith.constant -0.137911677 : f32
    %broadcast_in_dim3A_29 = vector.broadcast %jit3A_28 : f32 to vector<16xf32>
    %select_n3A_30 = arith.select %eq3A_27, %broadcast_in_dim3A_29, %select_n3A_24 : vector<16xi1>, vector<16xf32>
    %eq3A_31 = arith.constant 6 : i32
    %eq3A_32 = vector.broadcast %eq3A_31 : i32 to vector<16xi32>
    %eq3A_33 = arith.cmpi eq, %iota3A, %eq3A_32 : vector<16xi32>
    %jit3A_34 = arith.constant 0.203521222 : f32
    %broadcast_in_dim3A_35 = vector.broadcast %jit3A_34 : f32 to vector<16xf32>
    %select_n3A_36 = arith.select %eq3A_33, %broadcast_in_dim3A_35, %select_n3A_30 : vector<16xi1>, vector<16xf32>
    %eq3A_37 = arith.constant 7 : i32
    %eq3A_38 = vector.broadcast %eq3A_37 : i32 to vector<16xi32>
    %eq3A_39 = arith.cmpi eq, %iota3A, %eq3A_38 : vector<16xi32>
    %jit3A_40 = arith.constant 0.642786741 : f32
    %broadcast_in_dim3A_41 = vector.broadcast %jit3A_40 : f32 to vector<16xf32>
    %select_n3A_42 = arith.select %eq3A_39, %broadcast_in_dim3A_41, %select_n3A_36 : vector<16xi1>, vector<16xf32>
    %eq3A_43 = arith.constant 8 : i32
    %eq3A_44 = vector.broadcast %eq3A_43 : i32 to vector<16xi32>
    %eq3A_45 = arith.cmpi eq, %iota3A, %eq3A_44 : vector<16xi32>
    %jit3A_46 = arith.constant -0.848096489 : f32
    %broadcast_in_dim3A_47 = vector.broadcast %jit3A_46 : f32 to vector<16xf32>
    %select_n3A_48 = arith.select %eq3A_45, %broadcast_in_dim3A_47, %select_n3A_42 : vector<16xi1>, vector<16xf32>
    %eq3A_49 = arith.constant 9 : i32
    %eq3A_50 = vector.broadcast %eq3A_49 : i32 to vector<16xi32>
    %eq3A_51 = arith.cmpi eq, %iota3A, %eq3A_50 : vector<16xi32>
    %jit3A_52 = arith.constant -0.45999521 : f32
    %broadcast_in_dim3A_53 = vector.broadcast %jit3A_52 : f32 to vector<16xf32>
    %select_n3A_54 = arith.select %eq3A_51, %broadcast_in_dim3A_53, %select_n3A_48 : vector<16xi1>, vector<16xf32>
    %eq3A_55 = arith.constant 10 : i32
    %eq3A_56 = vector.broadcast %eq3A_55 : i32 to vector<16xi32>
    %eq3A_57 = arith.cmpi eq, %iota3A, %eq3A_56 : vector<16xi32>
    %jit3A_58 = arith.constant -0.234607339 : f32
    %broadcast_in_dim3A_59 = vector.broadcast %jit3A_58 : f32 to vector<16xf32>
    %select_n3A_60 = arith.select %eq3A_57, %broadcast_in_dim3A_59, %select_n3A_54 : vector<16xi1>, vector<16xf32>
    %eq3A_61 = arith.constant 11 : i32
    %eq3A_62 = vector.broadcast %eq3A_61 : i32 to vector<16xi32>
    %eq3A_63 = arith.cmpi eq, %iota3A, %eq3A_62 : vector<16xi32>
    %jit3A_64 = arith.constant -0.0455249697 : f32
    %broadcast_in_dim3A_65 = vector.broadcast %jit3A_64 : f32 to vector<16xf32>
    %select_n3A_66 = arith.select %eq3A_63, %broadcast_in_dim3A_65, %select_n3A_60 : vector<16xi1>, vector<16xf32>
    %eq3A_67 = arith.constant 12 : i32
    %eq3A_68 = vector.broadcast %eq3A_67 : i32 to vector<16xi32>
    %eq3A_69 = arith.cmpi eq, %iota3A, %eq3A_68 : vector<16xi32>
    %jit3A_70 = arith.constant 0.120255247 : f32
    %broadcast_in_dim3A_71 = vector.broadcast %jit3A_70 : f32 to vector<16xf32>
    %select_n3A_72 = arith.select %eq3A_69, %broadcast_in_dim3A_71, %select_n3A_66 : vector<16xi1>, vector<16xf32>
    %eq3A_73 = arith.constant 13 : i32
    %eq3A_74 = vector.broadcast %eq3A_73 : i32 to vector<16xi32>
    %eq3A_75 = arith.cmpi eq, %iota3A, %eq3A_74 : vector<16xi32>
    %jit3A_76 = arith.constant 0.292013764 : f32
    %broadcast_in_dim3A_77 = vector.broadcast %jit3A_76 : f32 to vector<16xf32>
    %select_n3A_78 = arith.select %eq3A_75, %broadcast_in_dim3A_77, %select_n3A_72 : vector<16xi1>, vector<16xf32>
    %eq3A_79 = arith.constant 14 : i32
    %eq3A_80 = vector.broadcast %eq3A_79 : i32 to vector<16xi32>
    %eq3A_81 = arith.cmpi eq, %iota3A, %eq3A_80 : vector<16xi32>
    %jit3A_82 = arith.constant 0.501663327 : f32
    %broadcast_in_dim3A_83 = vector.broadcast %jit3A_82 : f32 to vector<16xf32>
    %select_n3A_84 = arith.select %eq3A_81, %broadcast_in_dim3A_83, %select_n3A_78 : vector<16xi1>, vector<16xf32>
    %eq3A_85 = arith.constant 15 : i32
    %eq3A_86 = vector.broadcast %eq3A_85 : i32 to vector<16xi32>
    %eq3A_87 = arith.cmpi eq, %iota3A, %eq3A_86 : vector<16xi32>
    %jit3A_88 = arith.constant 0.861478328 : f32
    %broadcast_in_dim3A_89 = vector.broadcast %jit3A_88 : f32 to vector<16xf32>
    %select_n3A_90 = arith.select %eq3A_87, %broadcast_in_dim3A_89, %select_n3A_84 : vector<16xi1>, vector<16xf32>
    %broadcast_in_dim3A_91 = arith.constant -1.000000e+00 : f32
    %broadcast_in_dim3A_92 = vector.broadcast %broadcast_in_dim3A_91 : f32 to vector<16xf32>
    %eq3A_93 = arith.constant 1 : i32
    %eq3A_94 = vector.broadcast %eq3A_93 : i32 to vector<16xi32>
    %eq3A_95 = arith.cmpi eq, %iota3A, %eq3A_94 : vector<16xi32>
    %jit3A_96 = arith.constant -6.961930e-01 : f32
    %broadcast_in_dim3A_97 = vector.broadcast %jit3A_96 : f32 to vector<16xf32>
    %select_n3A_98 = arith.select %eq3A_95, %broadcast_in_dim3A_97, %broadcast_in_dim3A_92 : vector<16xi1>, vector<16xf32>
    %eq3A_99 = arith.constant 2 : i32
    %eq3A_100 = vector.broadcast %eq3A_99 : i32 to vector<16xi32>
    %eq3A_101 = arith.cmpi eq, %iota3A, %eq3A_100 : vector<16xi32>
    %jit3A_102 = arith.constant -5.250730e-01 : f32
    %broadcast_in_dim3A_103 = vector.broadcast %jit3A_102 : f32 to vector<16xf32>
    %select_n3A_104 = arith.select %eq3A_101, %broadcast_in_dim3A_103, %select_n3A_98 : vector<16xi1>, vector<16xf32>
    %eq3A_105 = arith.constant 3 : i32
    %eq3A_106 = vector.broadcast %eq3A_105 : i32 to vector<16xi32>
    %eq3A_107 = arith.cmpi eq, %iota3A, %eq3A_106 : vector<16xi32>
    %jit3A_108 = arith.constant -0.394917428 : f32
    %broadcast_in_dim3A_109 = vector.broadcast %jit3A_108 : f32 to vector<16xf32>
    %select_n3A_110 = arith.select %eq3A_107, %broadcast_in_dim3A_109, %select_n3A_104 : vector<16xi1>, vector<16xf32>
    %eq3A_111 = arith.constant 4 : i32
    %eq3A_112 = vector.broadcast %eq3A_111 : i32 to vector<16xi32>
    %eq3A_113 = arith.cmpi eq, %iota3A, %eq3A_112 : vector<16xi32>
    %jit3A_114 = arith.constant -0.284441262 : f32
    %broadcast_in_dim3A_115 = vector.broadcast %jit3A_114 : f32 to vector<16xf32>
    %select_n3A_116 = arith.select %eq3A_113, %broadcast_in_dim3A_115, %select_n3A_110 : vector<16xi1>, vector<16xf32>
    %eq3A_117 = arith.constant 5 : i32
    %eq3A_118 = vector.broadcast %eq3A_117 : i32 to vector<16xi32>
    %eq3A_119 = arith.cmpi eq, %iota3A, %eq3A_118 : vector<16xi32>
    %jit3A_120 = arith.constant -0.184773415 : f32
    %broadcast_in_dim3A_121 = vector.broadcast %jit3A_120 : f32 to vector<16xf32>
    %select_n3A_122 = arith.select %eq3A_119, %broadcast_in_dim3A_121, %select_n3A_116 : vector<16xi1>, vector<16xf32>
    %eq3A_123 = arith.constant 6 : i32
    %eq3A_124 = vector.broadcast %eq3A_123 : i32 to vector<16xi32>
    %eq3A_125 = arith.cmpi eq, %iota3A, %eq3A_124 : vector<16xi32>
    %jit3A_126 = arith.constant -0.0910499393 : f32
    %broadcast_in_dim3A_127 = vector.broadcast %jit3A_126 : f32 to vector<16xf32>
    %select_n3A_128 = arith.select %eq3A_125, %broadcast_in_dim3A_127, %select_n3A_122 : vector<16xi1>, vector<16xf32>
    %eq3A_129 = arith.constant 7 : i32
    %eq3A_130 = vector.broadcast %eq3A_129 : i32 to vector<16xi32>
    %eq3A_131 = arith.cmpi eq, %iota3A, %eq3A_130 : vector<16xi32>
    %jit3A_132 = arith.constant 0.000000e+00 : f32
    %broadcast_in_dim3A_133 = vector.broadcast %jit3A_132 : f32 to vector<16xf32>
    %select_n3A_134 = arith.select %eq3A_131, %broadcast_in_dim3A_133, %select_n3A_128 : vector<16xi1>, vector<16xf32>
    %eq3A_135 = arith.constant 8 : i32
    %eq3A_136 = vector.broadcast %eq3A_135 : i32 to vector<16xi32>
    %eq3A_137 = arith.cmpi eq, %iota3A, %eq3A_136 : vector<16xi32>
    %jit3A_138 = arith.constant 0.079580307 : f32
    %broadcast_in_dim3A_139 = vector.broadcast %jit3A_138 : f32 to vector<16xf32>
    %select_n3A_140 = arith.select %eq3A_137, %broadcast_in_dim3A_139, %select_n3A_134 : vector<16xi1>, vector<16xf32>
    %eq3A_141 = arith.constant 9 : i32
    %eq3A_142 = vector.broadcast %eq3A_141 : i32 to vector<16xi32>
    %eq3A_143 = arith.cmpi eq, %iota3A, %eq3A_142 : vector<16xi32>
    %jit3A_144 = arith.constant 0.160930187 : f32
    %broadcast_in_dim3A_145 = vector.broadcast %jit3A_144 : f32 to vector<16xf32>
    %select_n3A_146 = arith.select %eq3A_143, %broadcast_in_dim3A_145, %select_n3A_140 : vector<16xi1>, vector<16xf32>
    %eq3A_147 = arith.constant 10 : i32
    %eq3A_148 = vector.broadcast %eq3A_147 : i32 to vector<16xi32>
    %eq3A_149 = arith.cmpi eq, %iota3A, %eq3A_148 : vector<16xi32>
    %jit3A_150 = arith.constant 0.246112272 : f32
    %broadcast_in_dim3A_151 = vector.broadcast %jit3A_150 : f32 to vector<16xf32>
    %select_n3A_152 = arith.select %eq3A_149, %broadcast_in_dim3A_151, %select_n3A_146 : vector<16xi1>, vector<16xf32>
    %eq3A_153 = arith.constant 11 : i32
    %eq3A_154 = vector.broadcast %eq3A_153 : i32 to vector<16xi32>
    %eq3A_155 = arith.cmpi eq, %iota3A, %eq3A_154 : vector<16xi32>
    %jit3A_156 = arith.constant 0.337915242 : f32
    %broadcast_in_dim3A_157 = vector.broadcast %jit3A_156 : f32 to vector<16xf32>
    %select_n3A_158 = arith.select %eq3A_155, %broadcast_in_dim3A_157, %select_n3A_152 : vector<16xi1>, vector<16xf32>
    %eq3A_159 = arith.constant 12 : i32
    %eq3A_160 = vector.broadcast %eq3A_159 : i32 to vector<16xi32>
    %eq3A_161 = arith.cmpi eq, %iota3A, %eq3A_160 : vector<16xi32>
    %jit3A_162 = arith.constant 0.4407098 : f32
    %broadcast_in_dim3A_163 = vector.broadcast %jit3A_162 : f32 to vector<16xf32>
    %select_n3A_164 = arith.select %eq3A_161, %broadcast_in_dim3A_163, %select_n3A_158 : vector<16xi1>, vector<16xf32>
    %eq3A_165 = arith.constant 13 : i32
    %eq3A_166 = vector.broadcast %eq3A_165 : i32 to vector<16xi32>
    %eq3A_167 = arith.cmpi eq, %iota3A, %eq3A_166 : vector<16xi32>
    %jit3A_168 = arith.constant 0.562616825 : f32
    %broadcast_in_dim3A_169 = vector.broadcast %jit3A_168 : f32 to vector<16xf32>
    %select_n3A_170 = arith.select %eq3A_167, %broadcast_in_dim3A_169, %select_n3A_164 : vector<16xi1>, vector<16xf32>
    %eq3A_171 = arith.constant 14 : i32
    %eq3A_172 = vector.broadcast %eq3A_171 : i32 to vector<16xi32>
    %eq3A_173 = arith.cmpi eq, %iota3A, %eq3A_172 : vector<16xi32>
    %jit3A_174 = arith.constant 0.722956717 : f32
    %broadcast_in_dim3A_175 = vector.broadcast %jit3A_174 : f32 to vector<16xf32>
    %select_n3A_176 = arith.select %eq3A_173, %broadcast_in_dim3A_175, %select_n3A_170 : vector<16xi1>, vector<16xf32>
    %eq3A_177 = arith.constant 15 : i32
    %eq3A_178 = vector.broadcast %eq3A_177 : i32 to vector<16xi32>
    %eq3A_179 = arith.cmpi eq, %iota3A, %eq3A_178 : vector<16xi32>
    %jit3A_180 = arith.constant 1.000000e+00 : f32
    %broadcast_in_dim3A_181 = vector.broadcast %jit3A_180 : f32 to vector<16xf32>
    %select_n3A_182 = arith.select %eq3A_179, %broadcast_in_dim3A_181, %select_n3A_176 : vector<16xi1>, vector<16xf32>
    %scan3A = arith.constant 0 : i32
    %scan3A_183 = arith.constant 0 : i32
    %scan3A_184 = arith.constant 3 : i32
    %scan3A_185 = arith.addi %scan3A_183, %scan3A_184 : i32
    %scan3A_186 = arith.constant 1 : i32
    %scan3A_187 = scf.for %scan3A_189 = %scan3A_183 to %scan3A_185 step %scan3A_186 iter_args(%scan3A_190 = %scan3A) -> (i32)  : i32 {
      %mul3A_191 = arith.constant 16 : i32
      %mul3A_192 = arith.muli %scan3A_189, %mul3A_191 : i32
      %add3A_193 = arith.addi %mul3A_2, %mul3A_192 : i32
      %multiple_of3A = tpu.assume_multiple %add3A_193, 16 : i32
      "tpu.region"() ({
        %run_scoped3A = tpu.sem_alloc : memref<!tpu.dma_semaphore, #tpu.memory_space<semaphore_mem>>
        %dma_start3A = arith.constant 0 : i32
        %dma_start3A_221 = tpu.memref_slice %arg2[%multiple_of3A, %dma_start3A] : memref<2048x2048xf32, #tpu.memory_space<hbm>> -> memref<16x2048xf32, #tpu.memory_space<hbm>>
        %dma_start3A_222 = arith.constant 0 : i32
        %dma_start3A_223 = tpu.memref_slice %arg2[%multiple_of3A, %dma_start3A_222] : memref<2048x2048xf32, #tpu.memory_space<hbm>> -> memref<16x2048xf32, #tpu.memory_space<hbm>>
        tpu.enqueue_dma source(%dma_start3A_223 : memref<16x2048xf32, #tpu.memory_space<hbm>>) target(%arg4 : memref<16x2048xf32, #tpu.memory_space<vmem>>) target_semaphore(%run_scoped3A : memref<!tpu.dma_semaphore, #tpu.memory_space<semaphore_mem>>)
        %dma_wait3A = arith.constant 0 : i32
        %dma_wait3A_224 = tpu.memref_slice %arg2[%multiple_of3A, %dma_wait3A] : memref<2048x2048xf32, #tpu.memory_space<hbm>> -> memref<16x2048xf32, #tpu.memory_space<hbm>>
        %dma_wait3A_225 = arith.constant 0 : i32
        %dma_wait3A_226 = tpu.memref_slice %arg2[%multiple_of3A, %dma_wait3A_225] : memref<2048x2048xf32, #tpu.memory_space<hbm>> -> memref<16x2048xf32, #tpu.memory_space<hbm>>
        tpu.wait_dma2 semaphore(%run_scoped3A : memref<!tpu.dma_semaphore, #tpu.memory_space<semaphore_mem>>) src(%dma_wait3A_226 : memref<16x2048xf32, #tpu.memory_space<hbm>>) dst(%arg4 : memref<16x2048xf32, #tpu.memory_space<vmem>>)
        tpu.yield
      }) : () -> ()
      %scan3A_194 = arith.constant 0 : i32
      %scan3A_195 = arith.constant 0 : i32
      %scan3A_196 = arith.constant 256 : i32
      %scan3A_197 = arith.addi %scan3A_195, %scan3A_196 : i32
      %scan3A_198 = arith.constant 1 : i32
      %scan3A_199 = scf.for %scan3A_221 = %scan3A_195 to %scan3A_197 step %scan3A_198 iter_args(%scan3A_222 = %scan3A_194) -> (i32)  : i32 {
        %jit3A_223 = arith.constant 32 : i32
        %div3A_224 = arith.divsi %scan3A_221, %jit3A_223 : i32
        %sign3A_225 = arith.constant 0 : i32
        %sign3A_226 = arith.cmpi sgt, %scan3A_221, %sign3A_225 : i32
        %sign3A_227 = arith.extui %sign3A_226 : i1 to i32
        %sign3A_228 = arith.constant 0 : i32
        %sign3A_229 = arith.cmpi slt, %scan3A_221, %sign3A_228 : i32
        %sign3A_230 = arith.extui %sign3A_229 : i1 to i32
        %sign3A_231 = arith.subi %sign3A_227, %sign3A_230 : i32
        %sign3A_232 = arith.constant 0 : i32
        %sign3A_233 = arith.cmpi sgt, %jit3A_223, %sign3A_232 : i32
        %sign3A_234 = arith.extui %sign3A_233 : i1 to i32
        %sign3A_235 = arith.constant 0 : i32
        %sign3A_236 = arith.cmpi slt, %jit3A_223, %sign3A_235 : i32
        %sign3A_237 = arith.extui %sign3A_236 : i1 to i32
        %sign3A_238 = arith.subi %sign3A_234, %sign3A_237 : i32
        %ne3A_239 = arith.cmpi ne, %sign3A_231, %sign3A_238 : i32
        %rem3A_240 = arith.remsi %scan3A_221, %jit3A_223 : i32
        %ne3A_241 = arith.constant 0 : i32
        %ne3A_242 = arith.cmpi ne, %rem3A_240, %ne3A_241 : i32
        %and3A_243 = arith.andi %ne3A_239, %ne3A_242 : i1
        %sub3A_244 = arith.constant 1 : i32
        %sub3A_245 = arith.subi %div3A_224, %sub3A_244 : i32
        %select_n3A_246 = arith.select %and3A_243, %sub3A_245, %div3A_224 : i32
        %jit3A_247 = arith.constant 32 : i32
        %eq3A_248 = arith.constant 0 : i32
        %eq3A_249 = arith.cmpi eq, %jit3A_247, %eq3A_248 : i32
        %jit3A_250 = arith.constant 1 : i32
        %select_n3A_251 = arith.select %eq3A_249, %jit3A_250, %jit3A_247 : i32
        %rem3A_252 = arith.remsi %scan3A_221, %select_n3A_251 : i32
        %ne3A_253 = arith.constant 0 : i32
        %ne3A_254 = arith.cmpi ne, %rem3A_252, %ne3A_253 : i32
        %lt3A = arith.constant 0 : i32
        %lt3A_255 = arith.cmpi slt, %rem3A_252, %lt3A : i32
        %lt3A_256 = arith.constant 0 : i32
        %lt3A_257 = arith.cmpi slt, %select_n3A_251, %lt3A_256 : i32
        %ne3A_258 = arith.xori %lt3A_255, %lt3A_257 : i1
        %and3A_259 = arith.andi %ne3A_258, %ne3A_254 : i1
        %add3A_260 = arith.addi %rem3A_252, %select_n3A_251 : i32
        %select_n3A_261 = arith.select %and3A_259, %add3A_260, %rem3A_252 : i32
        %mul3A_262 = arith.constant 64 : i32
        %mul3A_263 = arith.muli %select_n3A_261, %mul3A_262 : i32
        %mul3A_264 = arith.constant 2 : i32
        %mul3A_265 = arith.muli %mul3A_264, %select_n3A_246 : i32
        %add3A_266 = arith.constant 0 : i32
        %add3A_267 = arith.addi %mul3A_263, %add3A_266 : i32
        %multiple_of3A_268 = tpu.assume_multiple %add3A_267, 16 : i32
        %get3A = arith.index_cast %mul3A_265 : i32 to index
        %get3A_269 = arith.index_cast %multiple_of3A_268 : i32 to index
        %get3A_270 = tpu.vector_load %arg4[%get3A, %get3A_269] {strides = array<i32>} : memref<16x2048xf32, #tpu.memory_space<vmem>>, vector<1x16xf32>,
        %get3A_271 = vector.shape_cast %get3A_270 : vector<1x16xf32> to vector<16xf32>
        %add3A_272 = arith.constant 16 : i32
        %add3A_273 = arith.addi %mul3A_263, %add3A_272 : i32
        %multiple_of3A_274 = tpu.assume_multiple %add3A_273, 16 : i32
        %get3A_275 = arith.index_cast %mul3A_265 : i32 to index
        %get3A_276 = arith.index_cast %multiple_of3A_274 : i32 to index
        %get3A_277 = tpu.vector_load %arg4[%get3A_275, %get3A_276] {strides = array<i32>} : memref<16x2048xf32, #tpu.memory_space<vmem>>, vector<1x16xf32>,
        %get3A_278 = vector.shape_cast %get3A_277 : vector<1x16xf32> to vector<16xf32>
        %add3A_279 = arith.constant 32 : i32
        %add3A_280 = arith.addi %mul3A_263, %add3A_279 : i32
        %multiple_of3A_281 = tpu.assume_multiple %add3A_280, 16 : i32
        %get3A_282 = arith.index_cast %mul3A_265 : i32 to index
        %get3A_283 = arith.index_cast %multiple_of3A_281 : i32 to index
        %get3A_284 = tpu.vector_load %arg4[%get3A_282, %get3A_283] {strides = array<i32>} : memref<16x2048xf32, #tpu.memory_space<vmem>>, vector<1x16xf32>,
        %get3A_285 = vector.shape_cast %get3A_284 : vector<1x16xf32> to vector<16xf32>
        %add3A_286 = arith.constant 48 : i32
        %add3A_287 = arith.addi %mul3A_263, %add3A_286 : i32
        %multiple_of3A_288 = tpu.assume_multiple %add3A_287, 16 : i32
        %get3A_289 = arith.index_cast %mul3A_265 : i32 to index
        %get3A_290 = arith.index_cast %multiple_of3A_288 : i32 to index
        %get3A_291 = tpu.vector_load %arg4[%get3A_289, %get3A_290] {strides = array<i32>} : memref<16x2048xf32, #tpu.memory_space<vmem>>, vector<1x16xf32>,
        %get3A_292 = vector.shape_cast %get3A_291 : vector<1x16xf32> to vector<16xf32>
        %abs3A = math.absf %get3A_271 : vector<16xf32>
        %abs3A_293 = math.absf %get3A_278 : vector<16xf32>
        %max3A = arith.maximumf %abs3A, %abs3A_293 : vector<16xf32>
        %abs3A_294 = math.absf %get3A_285 : vector<16xf32>
        %abs3A_295 = math.absf %get3A_292 : vector<16xf32>
        %max3A_296 = arith.maximumf %abs3A_294, %abs3A_295 : vector<16xf32>
        %max3A_297 = arith.maximumf %max3A, %max3A_296 : vector<16xf32>
        %xor3A = arith.constant 8 : i32
        %xor3A_298 = vector.broadcast %xor3A : i32 to vector<16xi32>
        %xor3A_299 = arith.xori %iota3A, %xor3A_298 : vector<16xi32>
        %lt3A_300 = arith.constant 0 : i32
        %lt3A_301 = vector.broadcast %lt3A_300 : i32 to vector<16xi32>
        %lt3A_302 = arith.cmpi slt, %xor3A_299, %lt3A_301 : vector<16xi32>
        %add3A_303 = arith.constant 16 : i32
        %add3A_304 = vector.broadcast %add3A_303 : i32 to vector<16xi32>
        %add3A_305 = arith.addi %xor3A_299, %add3A_304 : vector<16xi32>
        %select_n3A_306 = arith.select %lt3A_302, %add3A_305, %xor3A_299 : vector<16xi1>, vector<16xi32>
        %broadcast_in_dim3A_307 = vector.shape_cast %select_n3A_306 : vector<16xi32> to vector<16x1xi32>
        %gather3A = vector.shape_cast %broadcast_in_dim3A_307 : vector<16x1xi32> to vector<16xi32>
        %gather3A_308 = tpu.dynamic_gather %max3A_297[%gather3A] in [0] : vector<16xf32>, vector<16xi32> -> vector<16xf32>
        %max3A_309 = arith.maximumf %max3A_297, %gather3A_308 : vector<16xf32>
        %xor3A_310 = arith.constant 4 : i32
        %xor3A_311 = vector.broadcast %xor3A_310 : i32 to vector<16xi32>
        %xor3A_312 = arith.xori %iota3A, %xor3A_311 : vector<16xi32>
        %lt3A_313 = arith.constant 0 : i32
        %lt3A_314 = vector.broadcast %lt3A_313 : i32 to vector<16xi32>
        %lt3A_315 = arith.cmpi slt, %xor3A_312, %lt3A_314 : vector<16xi32>
        %add3A_316 = arith.constant 16 : i32
        %add3A_317 = vector.broadcast %add3A_316 : i32 to vector<16xi32>
        %add3A_318 = arith.addi %xor3A_312, %add3A_317 : vector<16xi32>
        %select_n3A_319 = arith.select %lt3A_315, %add3A_318, %xor3A_312 : vector<16xi1>, vector<16xi32>
        %broadcast_in_dim3A_320 = vector.shape_cast %select_n3A_319 : vector<16xi32> to vector<16x1xi32>
        %gather3A_321 = vector.shape_cast %broadcast_in_dim3A_320 : vector<16x1xi32> to vector<16xi32>
        %gather3A_322 = tpu.dynamic_gather %max3A_309[%gather3A_321] in [0] : vector<16xf32>, vector<16xi32> -> vector<16xf32>
        %max3A_323 = arith.maximumf %max3A_309, %gather3A_322 : vector<16xf32>
        %xor3A_324 = arith.constant 2 : i32
        %xor3A_325 = vector.broadcast %xor3A_324 : i32 to vector<16xi32>
        %xor3A_326 = arith.xori %iota3A, %xor3A_325 : vector<16xi32>
        %lt3A_327 = arith.constant 0 : i32
        %lt3A_328 = vector.broadcast %lt3A_327 : i32 to vector<16xi32>
        %lt3A_329 = arith.cmpi slt, %xor3A_326, %lt3A_328 : vector<16xi32>
        %add3A_330 = arith.constant 16 : i32
        %add3A_331 = vector.broadcast %add3A_330 : i32 to vector<16xi32>
        %add3A_332 = arith.addi %xor3A_326, %add3A_331 : vector<16xi32>
        %select_n3A_333 = arith.select %lt3A_329, %add3A_332, %xor3A_326 : vector<16xi1>, vector<16xi32>
        %broadcast_in_dim3A_334 = vector.shape_cast %select_n3A_333 : vector<16xi32> to vector<16x1xi32>
        %gather3A_335 = vector.shape_cast %broadcast_in_dim3A_334 : vector<16x1xi32> to vector<16xi32>
        %gather3A_336 = tpu.dynamic_gather %max3A_323[%gather3A_335] in [0] : vector<16xf32>, vector<16xi32> -> vector<16xf32>
        %max3A_337 = arith.maximumf %max3A_323, %gather3A_336 : vector<16xf32>
        %xor3A_338 = arith.constant 1 : i32
        %xor3A_339 = vector.broadcast %xor3A_338 : i32 to vector<16xi32>
        %xor3A_340 = arith.xori %iota3A, %xor3A_339 : vector<16xi32>
        %lt3A_341 = arith.constant 0 : i32
        %lt3A_342 = vector.broadcast %lt3A_341 : i32 to vector<16xi32>
        %lt3A_343 = arith.cmpi slt, %xor3A_340, %lt3A_342 : vector<16xi32>
        %add3A_344 = arith.constant 16 : i32
        %add3A_345 = vector.broadcast %add3A_344 : i32 to vector<16xi32>
        %add3A_346 = arith.addi %xor3A_340, %add3A_345 : vector<16xi32>
        %select_n3A_347 = arith.select %lt3A_343, %add3A_346, %xor3A_340 : vector<16xi1>, vector<16xi32>
        %broadcast_in_dim3A_348 = vector.shape_cast %select_n3A_347 : vector<16xi32> to vector<16x1xi32>
        %gather3A_349 = vector.shape_cast %broadcast_in_dim3A_348 : vector<16x1xi32> to vector<16xi32>
        %gather3A_350 = tpu.dynamic_gather %max3A_337[%gather3A_349] in [0] : vector<16xf32>, vector<16xi32> -> vector<16xf32>
        %max3A_351 = arith.maximumf %max3A_337, %gather3A_350 : vector<16xf32>
        %div3A_352 = arith.constant 1.000000e+00 : f32
        %div3A_353 = vector.broadcast %div3A_352 : f32 to vector<16xf32>
        %div3A_354 = arith.divf %div3A_353, %max3A_351 : vector<16xf32>
        %mul3A_355 = arith.mulf %get3A_271, %div3A_354 : vector<16xf32>
        %broadcast_in_dim3A_356 = arith.constant 1 : i32
        %broadcast_in_dim3A_357 = vector.broadcast %broadcast_in_dim3A_356 : i32 to vector<16xi32>
        %lt3A_358 = arith.constant 0 : i32
        %lt3A_359 = vector.broadcast %lt3A_358 : i32 to vector<16xi32>
        %lt3A_360 = arith.cmpi slt, %broadcast_in_dim3A_357, %lt3A_359 : vector<16xi32>
        %add3A_361 = arith.constant 16 : i32
        %add3A_362 = vector.broadcast %add3A_361 : i32 to vector<16xi32>
        %add3A_363 = arith.addi %broadcast_in_dim3A_357, %add3A_362 : vector<16xi32>
        %select_n3A_364 = arith.select %lt3A_360, %add3A_363, %broadcast_in_dim3A_357 : vector<16xi1>, vector<16xi32>
        %broadcast_in_dim3A_365 = vector.shape_cast %select_n3A_364 : vector<16xi32> to vector<16x1xi32>
        %gather3A_366 = vector.shape_cast %broadcast_in_dim3A_365 : vector<16x1xi32> to vector<16xi32>
        %gather3A_367 = tpu.dynamic_gather %select_n3A_90[%gather3A_366] in [0] : vector<16xf32>, vector<16xi32> -> vector<16xf32>
        %add3A_368 = arith.addi %broadcast_in_dim3A_357, %broadcast_in_dim3A_357 : vector<16xi32>
        %gt3A = arith.cmpf ogt, %mul3A_355, %gather3A_367 : vector<16xf32>
        %jit3A_369 = arith.constant 1 : i32
        %jit3A_370 = arith.constant 0 : i32
        %broadcast_in_dim3A_371 = vector.broadcast %jit3A_369 : i32 to vector<16xi32>
        %broadcast_in_dim3A_372 = vector.broadcast %jit3A_370 : i32 to vector<16xi32>
        %select_n3A_373 = arith.select %gt3A, %broadcast_in_dim3A_371, %broadcast_in_dim3A_372 : vector<16xi1>, vector<16xi32>
        %add3A_374 = arith.addi %add3A_368, %select_n3A_373 : vector<16xi32>
        %lt3A_375 = arith.constant 0 : i32
        %lt3A_376 = vector.broadcast %lt3A_375 : i32 to vector<16xi32>
        %lt3A_377 = arith.cmpi slt, %add3A_374, %lt3A_376 : vector<16xi32>
        %add3A_378 = arith.constant 16 : i32
        %add3A_379 = vector.broadcast %add3A_378 : i32 to vector<16xi32>
        %add3A_380 = arith.addi %add3A_374, %add3A_379 : vector<16xi32>
        %select_n3A_381 = arith.select %lt3A_377, %add3A_380, %add3A_374 : vector<16xi1>, vector<16xi32>
        %broadcast_in_dim3A_382 = vector.shape_cast %select_n3A_381 : vector<16xi32> to vector<16x1xi32>
        %gather3A_383 = vector.shape_cast %broadcast_in_dim3A_382 : vector<16x1xi32> to vector<16xi32>
        %gather3A_384 = tpu.dynamic_gather %select_n3A_90[%gather3A_383] in [0] : vector<16xf32>, vector<16xi32> -> vector<16xf32>
        %add3A_385 = arith.addi %add3A_374, %add3A_374 : vector<16xi32>
        %gt3A_386 = arith.cmpf ogt, %mul3A_355, %gather3A_384 : vector<16xf32>
        %jit3A_387 = arith.constant 1 : i32
        %jit3A_388 = arith.constant 0 : i32
        %broadcast_in_dim3A_389 = vector.broadcast %jit3A_387 : i32 to vector<16xi32>
        %broadcast_in_dim3A_390 = vector.broadcast %jit3A_388 : i32 to vector<16xi32>
        %select_n3A_391 = arith.select %gt3A_386, %broadcast_in_dim3A_389, %broadcast_in_dim3A_390 : vector<16xi1>, vector<16xi32>
        %add3A_392 = arith.addi %add3A_385, %select_n3A_391 : vector<16xi32>
        %lt3A_393 = arith.constant 0 : i32
        %lt3A_394 = vector.broadcast %lt3A_393 : i32 to vector<16xi32>
        %lt3A_395 = arith.cmpi slt, %add3A_392, %lt3A_394 : vector<16xi32>
        %add3A_396 = arith.constant 16 : i32
        %add3A_397 = vector.broadcast %add3A_396 : i32 to vector<16xi32>
        %add3A_398 = arith.addi %add3A_392, %add3A_397 : vector<16xi32>
        %select_n3A_399 = arith.select %lt3A_395, %add3A_398, %add3A_392 : vector<16xi1>, vector<16xi32>
        %broadcast_in_dim3A_400 = vector.shape_cast %select_n3A_399 : vector<16xi32> to vector<16x1xi32>
        %gather3A_401 = vector.shape_cast %broadcast_in_dim3A_400 : vector<16x1xi32> to vector<16xi32>
        %gather3A_402 = tpu.dynamic_gather %select_n3A_90[%gather3A_401] in [0] : vector<16xf32>, vector<16xi32> -> vector<16xf32>
        %add3A_403 = arith.addi %add3A_392, %add3A_392 : vector<16xi32>
        %gt3A_404 = arith.cmpf ogt, %mul3A_355, %gather3A_402 : vector<16xf32>
        %jit3A_405 = arith.constant 1 : i32
        %jit3A_406 = arith.constant 0 : i32
        %broadcast_in_dim3A_407 = vector.broadcast %jit3A_405 : i32 to vector<16xi32>
        %broadcast_in_dim3A_408 = vector.broadcast %jit3A_406 : i32 to vector<16xi32>
        %select_n3A_409 = arith.select %gt3A_404, %broadcast_in_dim3A_407, %broadcast_in_dim3A_408 : vector<16xi1>, vector<16xi32>
        %add3A_410 = arith.addi %add3A_403, %select_n3A_409 : vector<16xi32>
        %lt3A_411 = arith.constant 0 : i32
        %lt3A_412 = vector.broadcast %lt3A_411 : i32 to vector<16xi32>
        %lt3A_413 = arith.cmpi slt, %add3A_410, %lt3A_412 : vector<16xi32>
        %add3A_414 = arith.constant 16 : i32
        %add3A_415 = vector.broadcast %add3A_414 : i32 to vector<16xi32>
        %add3A_416 = arith.addi %add3A_410, %add3A_415 : vector<16xi32>
        %select_n3A_417 = arith.select %lt3A_413, %add3A_416, %add3A_410 : vector<16xi1>, vector<16xi32>
        %broadcast_in_dim3A_418 = vector.shape_cast %select_n3A_417 : vector<16xi32> to vector<16x1xi32>
        %gather3A_419 = vector.shape_cast %broadcast_in_dim3A_418 : vector<16x1xi32> to vector<16xi32>
        %gather3A_420 = tpu.dynamic_gather %select_n3A_90[%gather3A_419] in [0] : vector<16xf32>, vector<16xi32> -> vector<16xf32>
        %add3A_421 = arith.addi %add3A_410, %add3A_410 : vector<16xi32>
        %gt3A_422 = arith.cmpf ogt, %mul3A_355, %gather3A_420 : vector<16xf32>
        %jit3A_423 = arith.constant 1 : i32
        %jit3A_424 = arith.constant 0 : i32
        %broadcast_in_dim3A_425 = vector.broadcast %jit3A_423 : i32 to vector<16xi32>
        %broadcast_in_dim3A_426 = vector.broadcast %jit3A_424 : i32 to vector<16xi32>
        %select_n3A_427 = arith.select %gt3A_422, %broadcast_in_dim3A_425, %broadcast_in_dim3A_426 : vector<16xi1>, vector<16xi32>
        %add3A_428 = arith.addi %add3A_421, %select_n3A_427 : vector<16xi32>
        %sub3A_429 = arith.constant 16 : i32
        %sub3A_430 = vector.broadcast %sub3A_429 : i32 to vector<16xi32>
        %sub3A_431 = arith.subi %add3A_428, %sub3A_430 : vector<16xi32>
        %lt3A_432 = arith.constant 0 : i32
        %lt3A_433 = vector.broadcast %lt3A_432 : i32 to vector<16xi32>
        %lt3A_434 = arith.cmpi slt, %sub3A_431, %lt3A_433 : vector<16xi32>
        %add3A_435 = arith.constant 16 : i32
        %add3A_436 = vector.broadcast %add3A_435 : i32 to vector<16xi32>
        %add3A_437 = arith.addi %sub3A_431, %add3A_436 : vector<16xi32>
        %select_n3A_438 = arith.select %lt3A_434, %add3A_437, %sub3A_431 : vector<16xi1>, vector<16xi32>
        %broadcast_in_dim3A_439 = vector.shape_cast %select_n3A_438 : vector<16xi32> to vector<16x1xi32>
        %gather3A_440 = vector.shape_cast %broadcast_in_dim3A_439 : vector<16x1xi32> to vector<16xi32>
        %gather3A_441 = tpu.dynamic_gather %select_n3A_182[%gather3A_440] in [0] : vector<16xf32>, vector<16xi32> -> vector<16xf32>
        %mul3A_442 = arith.mulf %gather3A_441, %max3A_351 : vector<16xf32>
        %bitcast_convert_type3A = tpu.bitcast %mul3A_442 : vector<16xf32> -> vector<16xi32>
        %add3A_443 = arith.constant 32767 : i32
        %add3A_444 = vector.broadcast %add3A_443 : i32 to vector<16xi32>
        %add3A_445 = arith.addi %bitcast_convert_type3A, %add3A_444 : vector<16xi32>
        %shift_right_logical3A = arith.constant 16 : i32
        %shift_right_logical3A_446 = vector.broadcast %shift_right_logical3A : i32 to vector<16xi32>
        %shift_right_logical3A_447 = arith.shrui %bitcast_convert_type3A, %shift_right_logical3A_446 : vector<16xi32>
        %and3A_448 = arith.constant 1 : i32
        %and3A_449 = vector.broadcast %and3A_448 : i32 to vector<16xi32>
        %and3A_450 = arith.andi %shift_right_logical3A_447, %and3A_449 : vector<16xi32>
        %add3A_451 = arith.addi %add3A_445, %and3A_450 : vector<16xi32>
        %shift_right_logical3A_452 = arith.constant 16 : i32
        %shift_right_logical3A_453 = vector.broadcast %shift_right_logical3A_452 : i32 to vector<16xi32>
        %shift_right_logical3A_454 = arith.shrui %add3A_451, %shift_right_logical3A_453 : vector<16xi32>
        %mul3A_455 = arith.mulf %get3A_278, %div3A_354 : vector<16xf32>
        %broadcast_in_dim3A_456 = arith.constant 1 : i32
        %broadcast_in_dim3A_457 = vector.broadcast %broadcast_in_dim3A_456 : i32 to vector<16xi32>
        %lt3A_458 = arith.constant 0 : i32
        %lt3A_459 = vector.broadcast %lt3A_458 : i32 to vector<16xi32>
        %lt3A_460 = arith.cmpi slt, %broadcast_in_dim3A_457, %lt3A_459 : vector<16xi32>
        %add3A_461 = arith.constant 16 : i32
        %add3A_462 = vector.broadcast %add3A_461 : i32 to vector<16xi32>
        %add3A_463 = arith.addi %broadcast_in_dim3A_457, %add3A_462 : vector<16xi32>
        %select_n3A_464 = arith.select %lt3A_460, %add3A_463, %broadcast_in_dim3A_457 : vector<16xi1>, vector<16xi32>
        %broadcast_in_dim3A_465 = vector.shape_cast %select_n3A_464 : vector<16xi32> to vector<16x1xi32>
        %gather3A_466 = vector.shape_cast %broadcast_in_dim3A_465 : vector<16x1xi32> to vector<16xi32>
        %gather3A_467 = tpu.dynamic_gather %select_n3A_90[%gather3A_466] in [0] : vector<16xf32>, vector<16xi32> -> vector<16xf32>
        %add3A_468 = arith.addi %broadcast_in_dim3A_457, %broadcast_in_dim3A_457 : vector<16xi32>
        %gt3A_469 = arith.cmpf ogt, %mul3A_455, %gather3A_467 : vector<16xf32>
        %jit3A_470 = arith.constant 1 : i32
        %jit3A_471 = arith.constant 0 : i32
        %broadcast_in_dim3A_472 = vector.broadcast %jit3A_470 : i32 to vector<16xi32>
        %broadcast_in_dim3A_473 = vector.broadcast %jit3A_471 : i32 to vector<16xi32>
        %select_n3A_474 = arith.select %gt3A_469, %broadcast_in_dim3A_472, %broadcast_in_dim3A_473 : vector<16xi1>, vector<16xi32>
        %add3A_475 = arith.addi %add3A_468, %select_n3A_474 : vector<16xi32>
        %lt3A_476 = arith.constant 0 : i32
        %lt3A_477 = vector.broadcast %lt3A_476 : i32 to vector<16xi32>
        %lt3A_478 = arith.cmpi slt, %add3A_475, %lt3A_477 : vector<16xi32>
        %add3A_479 = arith.constant 16 : i32
        %add3A_480 = vector.broadcast %add3A_479 : i32 to vector<16xi32>
        %add3A_481 = arith.addi %add3A_475, %add3A_480 : vector<16xi32>
        %select_n3A_482 = arith.select %lt3A_478, %add3A_481, %add3A_475 : vector<16xi1>, vector<16xi32>
        %broadcast_in_dim3A_483 = vector.shape_cast %select_n3A_482 : vector<16xi32> to vector<16x1xi32>
        %gather3A_484 = vector.shape_cast %broadcast_in_dim3A_483 : vector<16x1xi32> to vector<16xi32>
        %gather3A_485 = tpu.dynamic_gather %select_n3A_90[%gather3A_484] in [0] : vector<16xf32>, vector<16xi32> -> vector<16xf32>
        %add3A_486 = arith.addi %add3A_475, %add3A_475 : vector<16xi32>
        %gt3A_487 = arith.cmpf ogt, %mul3A_455, %gather3A_485 : vector<16xf32>
        %jit3A_488 = arith.constant 1 : i32
        %jit3A_489 = arith.constant 0 : i32
        %broadcast_in_dim3A_490 = vector.broadcast %jit3A_488 : i32 to vector<16xi32>
        %broadcast_in_dim3A_491 = vector.broadcast %jit3A_489 : i32 to vector<16xi32>
        %select_n3A_492 = arith.select %gt3A_487, %broadcast_in_dim3A_490, %broadcast_in_dim3A_491 : vector<16xi1>, vector<16xi32>
        %add3A_493 = arith.addi %add3A_486, %select_n3A_492 : vector<16xi32>
        %lt3A_494 = arith.constant 0 : i32
        %lt3A_495 = vector.broadcast %lt3A_494 : i32 to vector<16xi32>
        %lt3A_496 = arith.cmpi slt, %add3A_493, %lt3A_495 : vector<16xi32>
        %add3A_497 = arith.constant 16 : i32
        %add3A_498 = vector.broadcast %add3A_497 : i32 to vector<16xi32>
        %add3A_499 = arith.addi %add3A_493, %add3A_498 : vector<16xi32>
        %select_n3A_500 = arith.select %lt3A_496, %add3A_499, %add3A_493 : vector<16xi1>, vector<16xi32>
        %broadcast_in_dim3A_501 = vector.shape_cast %select_n3A_500 : vector<16xi32> to vector<16x1xi32>
        %gather3A_502 = vector.shape_cast %broadcast_in_dim3A_501 : vector<16x1xi32> to vector<16xi32>
        %gather3A_503 = tpu.dynamic_gather %select_n3A_90[%gather3A_502] in [0] : vector<16xf32>, vector<16xi32> -> vector<16xf32>
        %add3A_504 = arith.addi %add3A_493, %add3A_493 : vector<16xi32>
        %gt3A_505 = arith.cmpf ogt, %mul3A_455, %gather3A_503 : vector<16xf32>
        %jit3A_506 = arith.constant 1 : i32
        %jit3A_507 = arith.constant 0 : i32
        %broadcast_in_dim3A_508 = vector.broadcast %jit3A_506 : i32 to vector<16xi32>
        %broadcast_in_dim3A_509 = vector.broadcast %jit3A_507 : i32 to vector<16xi32>
        %select_n3A_510 = arith.select %gt3A_505, %broadcast_in_dim3A_508, %broadcast_in_dim3A_509 : vector<16xi1>, vector<16xi32>
        %add3A_511 = arith.addi %add3A_504, %select_n3A_510 : vector<16xi32>
        %lt3A_512 = arith.constant 0 : i32
        %lt3A_513 = vector.broadcast %lt3A_512 : i32 to vector<16xi32>
        %lt3A_514 = arith.cmpi slt, %add3A_511, %lt3A_513 : vector<16xi32>
        %add3A_515 = arith.constant 16 : i32
        %add3A_516 = vector.broadcast %add3A_515 : i32 to vector<16xi32>
        %add3A_517 = arith.addi %add3A_511, %add3A_516 : vector<16xi32>
        %select_n3A_518 = arith.select %lt3A_514, %add3A_517, %add3A_511 : vector<16xi1>, vector<16xi32>
        %broadcast_in_dim3A_519 = vector.shape_cast %select_n3A_518 : vector<16xi32> to vector<16x1xi32>
        %gather3A_520 = vector.shape_cast %broadcast_in_dim3A_519 : vector<16x1xi32> to vector<16xi32>
        %gather3A_521 = tpu.dynamic_gather %select_n3A_90[%gather3A_520] in [0] : vector<16xf32>, vector<16xi32> -> vector<16xf32>
        %add3A_522 = arith.addi %add3A_511, %add3A_511 : vector<16xi32>
        %gt3A_523 = arith.cmpf ogt, %mul3A_455, %gather3A_521 : vector<16xf32>
        %jit3A_524 = arith.constant 1 : i32
        %jit3A_525 = arith.constant 0 : i32
        %broadcast_in_dim3A_526 = vector.broadcast %jit3A_524 : i32 to vector<16xi32>
        %broadcast_in_dim3A_527 = vector.broadcast %jit3A_525 : i32 to vector<16xi32>
        %select_n3A_528 = arith.select %gt3A_523, %broadcast_in_dim3A_526, %broadcast_in_dim3A_527 : vector<16xi1>, vector<16xi32>
        %add3A_529 = arith.addi %add3A_522, %select_n3A_528 : vector<16xi32>
        %sub3A_530 = arith.constant 16 : i32
        %sub3A_531 = vector.broadcast %sub3A_530 : i32 to vector<16xi32>
        %sub3A_532 = arith.subi %add3A_529, %sub3A_531 : vector<16xi32>
        %lt3A_533 = arith.constant 0 : i32
        %lt3A_534 = vector.broadcast %lt3A_533 : i32 to vector<16xi32>
        %lt3A_535 = arith.cmpi slt, %sub3A_532, %lt3A_534 : vector<16xi32>
        %add3A_536 = arith.constant 16 : i32
        %add3A_537 = vector.broadcast %add3A_536 : i32 to vector<16xi32>
        %add3A_538 = arith.addi %sub3A_532, %add3A_537 : vector<16xi32>
        %select_n3A_539 = arith.select %lt3A_535, %add3A_538, %sub3A_532 : vector<16xi1>, vector<16xi32>
        %broadcast_in_dim3A_540 = vector.shape_cast %select_n3A_539 : vector<16xi32> to vector<16x1xi32>
        %gather3A_541 = vector.shape_cast %broadcast_in_dim3A_540 : vector<16x1xi32> to vector<16xi32>
        %gather3A_542 = tpu.dynamic_gather %select_n3A_182[%gather3A_541] in [0] : vector<16xf32>, vector<16xi32> -> vector<16xf32>
        %mul3A_543 = arith.mulf %gather3A_542, %max3A_351 : vector<16xf32>
        %bitcast_convert_type3A_544 = tpu.bitcast %mul3A_543 : vector<16xf32> -> vector<16xi32>
        %add3A_545 = arith.constant 32767 : i32
        %add3A_546 = vector.broadcast %add3A_545 : i32 to vector<16xi32>
        %add3A_547 = arith.addi %bitcast_convert_type3A_544, %add3A_546 : vector<16xi32>
        %shift_right_logical3A_548 = arith.constant 16 : i32
        %shift_right_logical3A_549 = vector.broadcast %shift_right_logical3A_548 : i32 to vector<16xi32>
        %shift_right_logical3A_550 = arith.shrui %bitcast_convert_type3A_544, %shift_right_logical3A_549 : vector<16xi32>
        %and3A_551 = arith.constant 1 : i32
        %and3A_552 = vector.broadcast %and3A_551 : i32 to vector<16xi32>
        %and3A_553 = arith.andi %shift_right_logical3A_550, %and3A_552 : vector<16xi32>
        %add3A_554 = arith.addi %add3A_547, %and3A_553 : vector<16xi32>
        %shift_right_logical3A_555 = arith.constant 16 : i32
        %shift_right_logical3A_556 = vector.broadcast %shift_right_logical3A_555 : i32 to vector<16xi32>
        %shift_right_logical3A_557 = arith.shrui %add3A_554, %shift_right_logical3A_556 : vector<16xi32>
        %mul3A_558 = arith.mulf %get3A_285, %div3A_354 : vector<16xf32>
        %broadcast_in_dim3A_559 = arith.constant 1 : i32
        %broadcast_in_dim3A_560 = vector.broadcast %broadcast_in_dim3A_559 : i32 to vector<16xi32>
        %lt3A_561 = arith.constant 0 : i32
        %lt3A_562 = vector.broadcast %lt3A_561 : i32 to vector<16xi32>
        %lt3A_563 = arith.cmpi slt, %broadcast_in_dim3A_560, %lt3A_562 : vector<16xi32>
        %add3A_564 = arith.constant 16 : i32
        %add3A_565 = vector.broadcast %add3A_564 : i32 to vector<16xi32>
        %add3A_566 = arith.addi %broadcast_in_dim3A_560, %add3A_565 : vector<16xi32>
        %select_n3A_567 = arith.select %lt3A_563, %add3A_566, %broadcast_in_dim3A_560 : vector<16xi1>, vector<16xi32>
        %broadcast_in_dim3A_568 = vector.shape_cast %select_n3A_567 : vector<16xi32> to vector<16x1xi32>
        %gather3A_569 = vector.shape_cast %broadcast_in_dim3A_568 : vector<16x1xi32> to vector<16xi32>
        %gather3A_570 = tpu.dynamic_gather %select_n3A_90[%gather3A_569] in [0] : vector<16xf32>, vector<16xi32> -> vector<16xf32>
        %add3A_571 = arith.addi %broadcast_in_dim3A_560, %broadcast_in_dim3A_560 : vector<16xi32>
        %gt3A_572 = arith.cmpf ogt, %mul3A_558, %gather3A_570 : vector<16xf32>
        %jit3A_573 = arith.constant 1 : i32
        %jit3A_574 = arith.constant 0 : i32
        %broadcast_in_dim3A_575 = vector.broadcast %jit3A_573 : i32 to vector<16xi32>
        %broadcast_in_dim3A_576 = vector.broadcast %jit3A_574 : i32 to vector<16xi32>
        %select_n3A_577 = arith.select %gt3A_572, %broadcast_in_dim3A_575, %broadcast_in_dim3A_576 : vector<16xi1>, vector<16xi32>
        %add3A_578 = arith.addi %add3A_571, %select_n3A_577 : vector<16xi32>
        %lt3A_579 = arith.constant 0 : i32
        %lt3A_580 = vector.broadcast %lt3A_579 : i32 to vector<16xi32>
        %lt3A_581 = arith.cmpi slt, %add3A_578, %lt3A_580 : vector<16xi32>
        %add3A_582 = arith.constant 16 : i32
        %add3A_583 = vector.broadcast %add3A_582 : i32 to vector<16xi32>
        %add3A_584 = arith.addi %add3A_578, %add3A_583 : vector<16xi32>
        %select_n3A_585 = arith.select %lt3A_581, %add3A_584, %add3A_578 : vector<16xi1>, vector<16xi32>
        %broadcast_in_dim3A_586 = vector.shape_cast %select_n3A_585 : vector<16xi32> to vector<16x1xi32>
        %gather3A_587 = vector.shape_cast %broadcast_in_dim3A_586 : vector<16x1xi32> to vector<16xi32>
        %gather3A_588 = tpu.dynamic_gather %select_n3A_90[%gather3A_587] in [0] : vector<16xf32>, vector<16xi32> -> vector<16xf32>
        %add3A_589 = arith.addi %add3A_578, %add3A_578 : vector<16xi32>
        %gt3A_590 = arith.cmpf ogt, %mul3A_558, %gather3A_588 : vector<16xf32>
        %jit3A_591 = arith.constant 1 : i32
        %jit3A_592 = arith.constant 0 : i32
        %broadcast_in_dim3A_593 = vector.broadcast %jit3A_591 : i32 to vector<16xi32>
        %broadcast_in_dim3A_594 = vector.broadcast %jit3A_592 : i32 to vector<16xi32>
        %select_n3A_595 = arith.select %gt3A_590, %broadcast_in_dim3A_593, %broadcast_in_dim3A_594 : vector<16xi1>, vector<16xi32>
        %add3A_596 = arith.addi %add3A_589, %select_n3A_595 : vector<16xi32>
        %lt3A_597 = arith.constant 0 : i32
        %lt3A_598 = vector.broadcast %lt3A_597 : i32 to vector<16xi32>
        %lt3A_599 = arith.cmpi slt, %add3A_596, %lt3A_598 : vector<16xi32>
        %add3A_600 = arith.constant 16 : i32
        %add3A_601 = vector.broadcast %add3A_600 : i32 to vector<16xi32>
        %add3A_602 = arith.addi %add3A_596, %add3A_601 : vector<16xi32>
        %select_n3A_603 = arith.select %lt3A_599, %add3A_602, %add3A_596 : vector<16xi1>, vector<16xi32>
        %broadcast_in_dim3A_604 = vector.shape_cast %select_n3A_603 : vector<16xi32> to vector<16x1xi32>
        %gather3A_605 = vector.shape_cast %broadcast_in_dim3A_604 : vector<16x1xi32> to vector<16xi32>
        %gather3A_606 = tpu.dynamic_gather %select_n3A_90[%gather3A_605] in [0] : vector<16xf32>, vector<16xi32> -> vector<16xf32>
        %add3A_607 = arith.addi %add3A_596, %add3A_596 : vector<16xi32>
        %gt3A_608 = arith.cmpf ogt, %mul3A_558, %gather3A_606 : vector<16xf32>
        %jit3A_609 = arith.constant 1 : i32
        %jit3A_610 = arith.constant 0 : i32
        %broadcast_in_dim3A_611 = vector.broadcast %jit3A_609 : i32 to vector<16xi32>
        %broadcast_in_dim3A_612 = vector.broadcast %jit3A_610 : i32 to vector<16xi32>
        %select_n3A_613 = arith.select %gt3A_608, %broadcast_in_dim3A_611, %broadcast_in_dim3A_612 : vector<16xi1>, vector<16xi32>
        %add3A_614 = arith.addi %add3A_607, %select_n3A_613 : vector<16xi32>
        %lt3A_615 = arith.constant 0 : i32
        %lt3A_616 = vector.broadcast %lt3A_615 : i32 to vector<16xi32>
        %lt3A_617 = arith.cmpi slt, %add3A_614, %lt3A_616 : vector<16xi32>
        %add3A_618 = arith.constant 16 : i32
        %add3A_619 = vector.broadcast %add3A_618 : i32 to vector<16xi32>
        %add3A_620 = arith.addi %add3A_614, %add3A_619 : vector<16xi32>
        %select_n3A_621 = arith.select %lt3A_617, %add3A_620, %add3A_614 : vector<16xi1>, vector<16xi32>
        %broadcast_in_dim3A_622 = vector.shape_cast %select_n3A_621 : vector<16xi32> to vector<16x1xi32>
        %gather3A_623 = vector.shape_cast %broadcast_in_dim3A_622 : vector<16x1xi32> to vector<16xi32>
        %gather3A_624 = tpu.dynamic_gather %select_n3A_90[%gather3A_623] in [0] : vector<16xf32>, vector<16xi32> -> vector<16xf32>
        %add3A_625 = arith.addi %add3A_614, %add3A_614 : vector<16xi32>
        %gt3A_626 = arith.cmpf ogt, %mul3A_558, %gather3A_624 : vector<16xf32>
        %jit3A_627 = arith.constant 1 : i32
        %jit3A_628 = arith.constant 0 : i32
        %broadcast_in_dim3A_629 = vector.broadcast %jit3A_627 : i32 to vector<16xi32>
        %broadcast_in_dim3A_630 = vector.broadcast %jit3A_628 : i32 to vector<16xi32>
        %select_n3A_631 = arith.select %gt3A_626, %broadcast_in_dim3A_629, %broadcast_in_dim3A_630 : vector<16xi1>, vector<16xi32>
        %add3A_632 = arith.addi %add3A_625, %select_n3A_631 : vector<16xi32>
        %sub3A_633 = arith.constant 16 : i32
        %sub3A_634 = vector.broadcast %sub3A_633 : i32 to vector<16xi32>
        %sub3A_635 = arith.subi %add3A_632, %sub3A_634 : vector<16xi32>
        %lt3A_636 = arith.constant 0 : i32
        %lt3A_637 = vector.broadcast %lt3A_636 : i32 to vector<16xi32>
        %lt3A_638 = arith.cmpi slt, %sub3A_635, %lt3A_637 : vector<16xi32>
        %add3A_639 = arith.constant 16 : i32
        %add3A_640 = vector.broadcast %add3A_639 : i32 to vector<16xi32>
        %add3A_641 = arith.addi %sub3A_635, %add3A_640 : vector<16xi32>
        %select_n3A_642 = arith.select %lt3A_638, %add3A_641, %sub3A_635 : vector<16xi1>, vector<16xi32>
        %broadcast_in_dim3A_643 = vector.shape_cast %select_n3A_642 : vector<16xi32> to vector<16x1xi32>
        %gather3A_644 = vector.shape_cast %broadcast_in_dim3A_643 : vector<16x1xi32> to vector<16xi32>
        %gather3A_645 = tpu.dynamic_gather %select_n3A_182[%gather3A_644] in [0] : vector<16xf32>, vector<16xi32> -> vector<16xf32>
        %mul3A_646 = arith.mulf %gather3A_645, %max3A_351 : vector<16xf32>
        %bitcast_convert_type3A_647 = tpu.bitcast %mul3A_646 : vector<16xf32> -> vector<16xi32>
        %add3A_648 = arith.constant 32767 : i32
        %add3A_649 = vector.broadcast %add3A_648 : i32 to vector<16xi32>
        %add3A_650 = arith.addi %bitcast_convert_type3A_647, %add3A_649 : vector<16xi32>
        %shift_right_logical3A_651 = arith.constant 16 : i32
        %shift_right_logical3A_652 = vector.broadcast %shift_right_logical3A_651 : i32 to vector<16xi32>
        %shift_right_logical3A_653 = arith.shrui %bitcast_convert_type3A_647, %shift_right_logical3A_652 : vector<16xi32>
        %and3A_654 = arith.constant 1 : i32
        %and3A_655 = vector.broadcast %and3A_654 : i32 to vector<16xi32>
        %and3A_656 = arith.andi %shift_right_logical3A_653, %and3A_655 : vector<16xi32>
        %add3A_657 = arith.addi %add3A_650, %and3A_656 : vector<16xi32>
        %shift_right_logical3A_658 = arith.constant 16 : i32
        %shift_right_logical3A_659 = vector.broadcast %shift_right_logical3A_658 : i32 to vector<16xi32>
        %shift_right_logical3A_660 = arith.shrui %add3A_657, %shift_right_logical3A_659 : vector<16xi32>
        %mul3A_661 = arith.mulf %get3A_292, %div3A_354 : vector<16xf32>
        %broadcast_in_dim3A_662 = arith.constant 1 : i32
        %broadcast_in_dim3A_663 = vector.broadcast %broadcast_in_dim3A_662 : i32 to vector<16xi32>
        %lt3A_664 = arith.constant 0 : i32
        %lt3A_665 = vector.broadcast %lt3A_664 : i32 to vector<16xi32>
        %lt3A_666 = arith.cmpi slt, %broadcast_in_dim3A_663, %lt3A_665 : vector<16xi32>
        %add3A_667 = arith.constant 16 : i32
        %add3A_668 = vector.broadcast %add3A_667 : i32 to vector<16xi32>
        %add3A_669 = arith.addi %broadcast_in_dim3A_663, %add3A_668 : vector<16xi32>
        %select_n3A_670 = arith.select %lt3A_666, %add3A_669, %broadcast_in_dim3A_663 : vector<16xi1>, vector<16xi32>
        %broadcast_in_dim3A_671 = vector.shape_cast %select_n3A_670 : vector<16xi32> to vector<16x1xi32>
        %gather3A_672 = vector.shape_cast %broadcast_in_dim3A_671 : vector<16x1xi32> to vector<16xi32>
        %gather3A_673 = tpu.dynamic_gather %select_n3A_90[%gather3A_672] in [0] : vector<16xf32>, vector<16xi32> -> vector<16xf32>
        %add3A_674 = arith.addi %broadcast_in_dim3A_663, %broadcast_in_dim3A_663 : vector<16xi32>
        %gt3A_675 = arith.cmpf ogt, %mul3A_661, %gather3A_673 : vector<16xf32>
        %jit3A_676 = arith.constant 1 : i32
        %jit3A_677 = arith.constant 0 : i32
        %broadcast_in_dim3A_678 = vector.broadcast %jit3A_676 : i32 to vector<16xi32>
        %broadcast_in_dim3A_679 = vector.broadcast %jit3A_677 : i32 to vector<16xi32>
        %select_n3A_680 = arith.select %gt3A_675, %broadcast_in_dim3A_678, %broadcast_in_dim3A_679 : vector<16xi1>, vector<16xi32>
        %add3A_681 = arith.addi %add3A_674, %select_n3A_680 : vector<16xi32>
        %lt3A_682 = arith.constant 0 : i32
        %lt3A_683 = vector.broadcast %lt3A_682 : i32 to vector<16xi32>
        %lt3A_684 = arith.cmpi slt, %add3A_681, %lt3A_683 : vector<16xi32>
        %add3A_685 = arith.constant 16 : i32
        %add3A_686 = vector.broadcast %add3A_685 : i32 to vector<16xi32>
        %add3A_687 = arith.addi %add3A_681, %add3A_686 : vector<16xi32>
        %select_n3A_688 = arith.select %lt3A_684, %add3A_687, %add3A_681 : vector<16xi1>, vector<16xi32>
        %broadcast_in_dim3A_689 = vector.shape_cast %select_n3A_688 : vector<16xi32> to vector<16x1xi32>
        %gather3A_690 = vector.shape_cast %broadcast_in_dim3A_689 : vector<16x1xi32> to vector<16xi32>
        %gather3A_691 = tpu.dynamic_gather %select_n3A_90[%gather3A_690] in [0] : vector<16xf32>, vector<16xi32> -> vector<16xf32>
        %add3A_692 = arith.addi %add3A_681, %add3A_681 : vector<16xi32>
        %gt3A_693 = arith.cmpf ogt, %mul3A_661, %gather3A_691 : vector<16xf32>
        %jit3A_694 = arith.constant 1 : i32
        %jit3A_695 = arith.constant 0 : i32
        %broadcast_in_dim3A_696 = vector.broadcast %jit3A_694 : i32 to vector<16xi32>
        %broadcast_in_dim3A_697 = vector.broadcast %jit3A_695 : i32 to vector<16xi32>
        %select_n3A_698 = arith.select %gt3A_693, %broadcast_in_dim3A_696, %broadcast_in_dim3A_697 : vector<16xi1>, vector<16xi32>
        %add3A_699 = arith.addi %add3A_692, %select_n3A_698 : vector<16xi32>
        %lt3A_700 = arith.constant 0 : i32
        %lt3A_701 = vector.broadcast %lt3A_700 : i32 to vector<16xi32>
        %lt3A_702 = arith.cmpi slt, %add3A_699, %lt3A_701 : vector<16xi32>
        %add3A_703 = arith.constant 16 : i32
        %add3A_704 = vector.broadcast %add3A_703 : i32 to vector<16xi32>
        %add3A_705 = arith.addi %add3A_699, %add3A_704 : vector<16xi32>
        %select_n3A_706 = arith.select %lt3A_702, %add3A_705, %add3A_699 : vector<16xi1>, vector<16xi32>
        %broadcast_in_dim3A_707 = vector.shape_cast %select_n3A_706 : vector<16xi32> to vector<16x1xi32>
        %gather3A_708 = vector.shape_cast %broadcast_in_dim3A_707 : vector<16x1xi32> to vector<16xi32>
        %gather3A_709 = tpu.dynamic_gather %select_n3A_90[%gather3A_708] in [0] : vector<16xf32>, vector<16xi32> -> vector<16xf32>
        %add3A_710 = arith.addi %add3A_699, %add3A_699 : vector<16xi32>
        %gt3A_711 = arith.cmpf ogt, %mul3A_661, %gather3A_709 : vector<16xf32>
        %jit3A_712 = arith.constant 1 : i32
        %jit3A_713 = arith.constant 0 : i32
        %broadcast_in_dim3A_714 = vector.broadcast %jit3A_712 : i32 to vector<16xi32>
        %broadcast_in_dim3A_715 = vector.broadcast %jit3A_713 : i32 to vector<16xi32>
        %select_n3A_716 = arith.select %gt3A_711, %broadcast_in_dim3A_714, %broadcast_in_dim3A_715 : vector<16xi1>, vector<16xi32>
        %add3A_717 = arith.addi %add3A_710, %select_n3A_716 : vector<16xi32>
        %lt3A_718 = arith.constant 0 : i32
        %lt3A_719 = vector.broadcast %lt3A_718 : i32 to vector<16xi32>
        %lt3A_720 = arith.cmpi slt, %add3A_717, %lt3A_719 : vector<16xi32>
        %add3A_721 = arith.constant 16 : i32
        %add3A_722 = vector.broadcast %add3A_721 : i32 to vector<16xi32>
        %add3A_723 = arith.addi %add3A_717, %add3A_722 : vector<16xi32>
        %select_n3A_724 = arith.select %lt3A_720, %add3A_723, %add3A_717 : vector<16xi1>, vector<16xi32>
        %broadcast_in_dim3A_725 = vector.shape_cast %select_n3A_724 : vector<16xi32> to vector<16x1xi32>
        %gather3A_726 = vector.shape_cast %broadcast_in_dim3A_725 : vector<16x1xi32> to vector<16xi32>
        %gather3A_727 = tpu.dynamic_gather %select_n3A_90[%gather3A_726] in [0] : vector<16xf32>, vector<16xi32> -> vector<16xf32>
        %add3A_728 = arith.addi %add3A_717, %add3A_717 : vector<16xi32>
        %gt3A_729 = arith.cmpf ogt, %mul3A_661, %gather3A_727 : vector<16xf32>
        %jit3A_730 = arith.constant 1 : i32
        %jit3A_731 = arith.constant 0 : i32
        %broadcast_in_dim3A_732 = vector.broadcast %jit3A_730 : i32 to vector<16xi32>
        %broadcast_in_dim3A_733 = vector.broadcast %jit3A_731 : i32 to vector<16xi32>
        %select_n3A_734 = arith.select %gt3A_729, %broadcast_in_dim3A_732, %broadcast_in_dim3A_733 : vector<16xi1>, vector<16xi32>
        %add3A_735 = arith.addi %add3A_728, %select_n3A_734 : vector<16xi32>
        %sub3A_736 = arith.constant 16 : i32
        %sub3A_737 = vector.broadcast %sub3A_736 : i32 to vector<16xi32>
        %sub3A_738 = arith.subi %add3A_735, %sub3A_737 : vector<16xi32>
        %lt3A_739 = arith.constant 0 : i32
        %lt3A_740 = vector.broadcast %lt3A_739 : i32 to vector<16xi32>
        %lt3A_741 = arith.cmpi slt, %sub3A_738, %lt3A_740 : vector<16xi32>
        %add3A_742 = arith.constant 16 : i32
        %add3A_743 = vector.broadcast %add3A_742 : i32 to vector<16xi32>
        %add3A_744 = arith.addi %sub3A_738, %add3A_743 : vector<16xi32>
        %select_n3A_745 = arith.select %lt3A_741, %add3A_744, %sub3A_738 : vector<16xi1>, vector<16xi32>
        %broadcast_in_dim3A_746 = vector.shape_cast %select_n3A_745 : vector<16xi32> to vector<16x1xi32>
        %gather3A_747 = vector.shape_cast %broadcast_in_dim3A_746 : vector<16x1xi32> to vector<16xi32>
        %gather3A_748 = tpu.dynamic_gather %select_n3A_182[%gather3A_747] in [0] : vector<16xf32>, vector<16xi32> -> vector<16xf32>
        %mul3A_749 = arith.mulf %gather3A_748, %max3A_351 : vector<16xf32>
        %bitcast_convert_type3A_750 = tpu.bitcast %mul3A_749 : vector<16xf32> -> vector<16xi32>
        %add3A_751 = arith.constant 32767 : i32
        %add3A_752 = vector.broadcast %add3A_751 : i32 to vector<16xi32>
        %add3A_753 = arith.addi %bitcast_convert_type3A_750, %add3A_752 : vector<16xi32>
        %shift_right_logical3A_754 = arith.constant 16 : i32
        %shift_right_logical3A_755 = vector.broadcast %shift_right_logical3A_754 : i32 to vector<16xi32>
        %shift_right_logical3A_756 = arith.shrui %bitcast_convert_type3A_750, %shift_right_logical3A_755 : vector<16xi32>
        %and3A_757 = arith.constant 1 : i32
        %and3A_758 = vector.broadcast %and3A_757 : i32 to vector<16xi32>
        %and3A_759 = arith.andi %shift_right_logical3A_756, %and3A_758 : vector<16xi32>
        %add3A_760 = arith.addi %add3A_753, %and3A_759 : vector<16xi32>
        %shift_right_logical3A_761 = arith.constant 16 : i32
        %shift_right_logical3A_762 = vector.broadcast %shift_right_logical3A_761 : i32 to vector<16xi32>
        %shift_right_logical3A_763 = arith.shrui %add3A_760, %shift_right_logical3A_762 : vector<16xi32>
        %mul3A_764 = arith.constant 2 : i32
        %mul3A_765 = arith.muli %mul3A_764, %select_n3A_246 : i32
        %add3A_766 = arith.constant 1 : i32
        %add3A_767 = arith.addi %mul3A_765, %add3A_766 : i32
        %add3A_768 = arith.constant 0 : i32
        %add3A_769 = arith.addi %mul3A_263, %add3A_768 : i32
        %multiple_of3A_770 = tpu.assume_multiple %add3A_769, 16 : i32
        %get3A_771 = arith.index_cast %add3A_767 : i32 to index
        %get3A_772 = arith.index_cast %multiple_of3A_770 : i32 to index
        %get3A_773 = tpu.vector_load %arg4[%get3A_771, %get3A_772] {strides = array<i32>} : memref<16x2048xf32, #tpu.memory_space<vmem>>, vector<1x16xf32>,
        %get3A_774 = vector.shape_cast %get3A_773 : vector<1x16xf32> to vector<16xf32>
        %add3A_775 = arith.constant 16 : i32
        %add3A_776 = arith.addi %mul3A_263, %add3A_775 : i32
        %multiple_of3A_777 = tpu.assume_multiple %add3A_776, 16 : i32
        %get3A_778 = arith.index_cast %add3A_767 : i32 to index
        %get3A_779 = arith.index_cast %multiple_of3A_777 : i32 to index
        %get3A_780 = tpu.vector_load %arg4[%get3A_778, %get3A_779] {strides = array<i32>} : memref<16x2048xf32, #tpu.memory_space<vmem>>, vector<1x16xf32>,
        %get3A_781 = vector.shape_cast %get3A_780 : vector<1x16xf32> to vector<16xf32>
        %add3A_782 = arith.constant 32 : i32
        %add3A_783 = arith.addi %mul3A_263, %add3A_782 : i32
        %multiple_of3A_784 = tpu.assume_multiple %add3A_783, 16 : i32
        %get3A_785 = arith.index_cast %add3A_767 : i32 to index
        %get3A_786 = arith.index_cast %multiple_of3A_784 : i32 to index
        %get3A_787 = tpu.vector_load %arg4[%get3A_785, %get3A_786] {strides = array<i32>} : memref<16x2048xf32, #tpu.memory_space<vmem>>, vector<1x16xf32>,
        %get3A_788 = vector.shape_cast %get3A_787 : vector<1x16xf32> to vector<16xf32>
        %add3A_789 = arith.constant 48 : i32
        %add3A_790 = arith.addi %mul3A_263, %add3A_789 : i32
        %multiple_of3A_791 = tpu.assume_multiple %add3A_790, 16 : i32
        %get3A_792 = arith.index_cast %add3A_767 : i32 to index
        %get3A_793 = arith.index_cast %multiple_of3A_791 : i32 to index
        %get3A_794 = tpu.vector_load %arg4[%get3A_792, %get3A_793] {strides = array<i32>} : memref<16x2048xf32, #tpu.memory_space<vmem>>, vector<1x16xf32>,
        %get3A_795 = vector.shape_cast %get3A_794 : vector<1x16xf32> to vector<16xf32>
        %abs3A_796 = math.absf %get3A_774 : vector<16xf32>
        %abs3A_797 = math.absf %get3A_781 : vector<16xf32>
        %max3A_798 = arith.maximumf %abs3A_796, %abs3A_797 : vector<16xf32>
        %abs3A_799 = math.absf %get3A_788 : vector<16xf32>
        %abs3A_800 = math.absf %get3A_795 : vector<16xf32>
        %max3A_801 = arith.maximumf %abs3A_799, %abs3A_800 : vector<16xf32>
        %max3A_802 = arith.maximumf %max3A_798, %max3A_801 : vector<16xf32>
        %xor3A_803 = arith.constant 8 : i32
        %xor3A_804 = vector.broadcast %xor3A_803 : i32 to vector<16xi32>
        %xor3A_805 = arith.xori %iota3A, %xor3A_804 : vector<16xi32>
        %lt3A_806 = arith.constant 0 : i32
        %lt3A_807 = vector.broadcast %lt3A_806 : i32 to vector<16xi32>
        %lt3A_808 = arith.cmpi slt, %xor3A_805, %lt3A_807 : vector<16xi32>
        %add3A_809 = arith.constant 16 : i32
        %add3A_810 = vector.broadcast %add3A_809 : i32 to vector<16xi32>
        %add3A_811 = arith.addi %xor3A_805, %add3A_810 : vector<16xi32>
        %select_n3A_812 = arith.select %lt3A_808, %add3A_811, %xor3A_805 : vector<16xi1>, vector<16xi32>
        %broadcast_in_dim3A_813 = vector.shape_cast %select_n3A_812 : vector<16xi32> to vector<16x1xi32>
        %gather3A_814 = vector.shape_cast %broadcast_in_dim3A_813 : vector<16x1xi32> to vector<16xi32>
        %gather3A_815 = tpu.dynamic_gather %max3A_802[%gather3A_814] in [0] : vector<16xf32>, vector<16xi32> -> vector<16xf32>
        %max3A_816 = arith.maximumf %max3A_802, %gather3A_815 : vector<16xf32>
        %xor3A_817 = arith.constant 4 : i32
        %xor3A_818 = vector.broadcast %xor3A_817 : i32 to vector<16xi32>
        %xor3A_819 = arith.xori %iota3A, %xor3A_818 : vector<16xi32>
        %lt3A_820 = arith.constant 0 : i32
        %lt3A_821 = vector.broadcast %lt3A_820 : i32 to vector<16xi32>
        %lt3A_822 = arith.cmpi slt, %xor3A_819, %lt3A_821 : vector<16xi32>
        %add3A_823 = arith.constant 16 : i32
        %add3A_824 = vector.broadcast %add3A_823 : i32 to vector<16xi32>
        %add3A_825 = arith.addi %xor3A_819, %add3A_824 : vector<16xi32>
        %select_n3A_826 = arith.select %lt3A_822, %add3A_825, %xor3A_819 : vector<16xi1>, vector<16xi32>
        %broadcast_in_dim3A_827 = vector.shape_cast %select_n3A_826 : vector<16xi32> to vector<16x1xi32>
        %gather3A_828 = vector.shape_cast %broadcast_in_dim3A_827 : vector<16x1xi32> to vector<16xi32>
        %gather3A_829 = tpu.dynamic_gather %max3A_816[%gather3A_828] in [0] : vector<16xf32>, vector<16xi32> -> vector<16xf32>
        %max3A_830 = arith.maximumf %max3A_816, %gather3A_829 : vector<16xf32>
        %xor3A_831 = arith.constant 2 : i32
        %xor3A_832 = vector.broadcast %xor3A_831 : i32 to vector<16xi32>
        %xor3A_833 = arith.xori %iota3A, %xor3A_832 : vector<16xi32>
        %lt3A_834 = arith.constant 0 : i32
        %lt3A_835 = vector.broadcast %lt3A_834 : i32 to vector<16xi32>
        %lt3A_836 = arith.cmpi slt, %xor3A_833, %lt3A_835 : vector<16xi32>
        %add3A_837 = arith.constant 16 : i32
        %add3A_838 = vector.broadcast %add3A_837 : i32 to vector<16xi32>
        %add3A_839 = arith.addi %xor3A_833, %add3A_838 : vector<16xi32>
        %select_n3A_840 = arith.select %lt3A_836, %add3A_839, %xor3A_833 : vector<16xi1>, vector<16xi32>
        %broadcast_in_dim3A_841 = vector.shape_cast %select_n3A_840 : vector<16xi32> to vector<16x1xi32>
        %gather3A_842 = vector.shape_cast %broadcast_in_dim3A_841 : vector<16x1xi32> to vector<16xi32>
        %gather3A_843 = tpu.dynamic_gather %max3A_830[%gather3A_842] in [0] : vector<16xf32>, vector<16xi32> -> vector<16xf32>
        %max3A_844 = arith.maximumf %max3A_830, %gather3A_843 : vector<16xf32>
        %xor3A_845 = arith.constant 1 : i32
        %xor3A_846 = vector.broadcast %xor3A_845 : i32 to vector<16xi32>
        %xor3A_847 = arith.xori %iota3A, %xor3A_846 : vector<16xi32>
        %lt3A_848 = arith.constant 0 : i32
        %lt3A_849 = vector.broadcast %lt3A_848 : i32 to vector<16xi32>
        %lt3A_850 = arith.cmpi slt, %xor3A_847, %lt3A_849 : vector<16xi32>
        %add3A_851 = arith.constant 16 : i32
        %add3A_852 = vector.broadcast %add3A_851 : i32 to vector<16xi32>
        %add3A_853 = arith.addi %xor3A_847, %add3A_852 : vector<16xi32>
        %select_n3A_854 = arith.select %lt3A_850, %add3A_853, %xor3A_847 : vector<16xi1>, vector<16xi32>
        %broadcast_in_dim3A_855 = vector.shape_cast %select_n3A_854 : vector<16xi32> to vector<16x1xi32>
        %gather3A_856 = vector.shape_cast %broadcast_in_dim3A_855 : vector<16x1xi32> to vector<16xi32>
        %gather3A_857 = tpu.dynamic_gather %max3A_844[%gather3A_856] in [0] : vector<16xf32>, vector<16xi32> -> vector<16xf32>
        %max3A_858 = arith.maximumf %max3A_844, %gather3A_857 : vector<16xf32>
        %div3A_859 = arith.constant 1.000000e+00 : f32
        %div3A_860 = vector.broadcast %div3A_859 : f32 to vector<16xf32>
        %div3A_861 = arith.divf %div3A_860, %max3A_858 : vector<16xf32>
        %mul3A_862 = arith.mulf %get3A_774, %div3A_861 : vector<16xf32>
        %broadcast_in_dim3A_863 = arith.constant 1 : i32
        %broadcast_in_dim3A_864 = vector.broadcast %broadcast_in_dim3A_863 : i32 to vector<16xi32>
        %lt3A_865 = arith.constant 0 : i32
        %lt3A_866 = vector.broadcast %lt3A_865 : i32 to vector<16xi32>
        %lt3A_867 = arith.cmpi slt, %broadcast_in_dim3A_864, %lt3A_866 : vector<16xi32>
        %add3A_868 = arith.constant 16 : i32
        %add3A_869 = vector.broadcast %add3A_868 : i32 to vector<16xi32>
        %add3A_870 = arith.addi %broadcast_in_dim3A_864, %add3A_869 : vector<16xi32>
        %select_n3A_871 = arith.select %lt3A_867, %add3A_870, %broadcast_in_dim3A_864 : vector<16xi1>, vector<16xi32>
        %broadcast_in_dim3A_872 = vector.shape_cast %select_n3A_871 : vector<16xi32> to vector<16x1xi32>
        %gather3A_873 = vector.shape_cast %broadcast_in_dim3A_872 : vector<16x1xi32> to vector<16xi32>
        %gather3A_874 = tpu.dynamic_gather %select_n3A_90[%gather3A_873] in [0] : vector<16xf32>, vector<16xi32> -> vector<16xf32>
        %add3A_875 = arith.addi %broadcast_in_dim3A_864, %broadcast_in_dim3A_864 : vector<16xi32>
        %gt3A_876 = arith.cmpf ogt, %mul3A_862, %gather3A_874 : vector<16xf32>
        %jit3A_877 = arith.constant 1 : i32
        %jit3A_878 = arith.constant 0 : i32
        %broadcast_in_dim3A_879 = vector.broadcast %jit3A_877 : i32 to vector<16xi32>
        %broadcast_in_dim3A_880 = vector.broadcast %jit3A_878 : i32 to vector<16xi32>
        %select_n3A_881 = arith.select %gt3A_876, %broadcast_in_dim3A_879, %broadcast_in_dim3A_880 : vector<16xi1>, vector<16xi32>
        %add3A_882 = arith.addi %add3A_875, %select_n3A_881 : vector<16xi32>
        %lt3A_883 = arith.constant 0 : i32
        %lt3A_884 = vector.broadcast %lt3A_883 : i32 to vector<16xi32>
        %lt3A_885 = arith.cmpi slt, %add3A_882, %lt3A_884 : vector<16xi32>
        %add3A_886 = arith.constant 16 : i32
        %add3A_887 = vector.broadcast %add3A_886 : i32 to vector<16xi32>
        %add3A_888 = arith.addi %add3A_882, %add3A_887 : vector<16xi32>
        %select_n3A_889 = arith.select %lt3A_885, %add3A_888, %add3A_882 : vector<16xi1>, vector<16xi32>
        %broadcast_in_dim3A_890 = vector.shape_cast %select_n3A_889 : vector<16xi32> to vector<16x1xi32>
        %gather3A_891 = vector.shape_cast %broadcast_in_dim3A_890 : vector<16x1xi32> to vector<16xi32>
        %gather3A_892 = tpu.dynamic_gather %select_n3A_90[%gather3A_891] in [0] : vector<16xf32>, vector<16xi32> -> vector<16xf32>
        %add3A_893 = arith.addi %add3A_882, %add3A_882 : vector<16xi32>
        %gt3A_894 = arith.cmpf ogt, %mul3A_862, %gather3A_892 : vector<16xf32>
        %jit3A_895 = arith.constant 1 : i32
        %jit3A_896 = arith.constant 0 : i32
        %broadcast_in_dim3A_897 = vector.broadcast %jit3A_895 : i32 to vector<16xi32>
        %broadcast_in_dim3A_898 = vector.broadcast %jit3A_896 : i32 to vector<16xi32>
        %select_n3A_899 = arith.select %gt3A_894, %broadcast_in_dim3A_897, %broadcast_in_dim3A_898 : vector<16xi1>, vector<16xi32>
        %add3A_900 = arith.addi %add3A_893, %select_n3A_899 : vector<16xi32>
        %lt3A_901 = arith.constant 0 : i32
        %lt3A_902 = vector.broadcast %lt3A_901 : i32 to vector<16xi32>
        %lt3A_903 = arith.cmpi slt, %add3A_900, %lt3A_902 : vector<16xi32>
        %add3A_904 = arith.constant 16 : i32
        %add3A_905 = vector.broadcast %add3A_904 : i32 to vector<16xi32>
        %add3A_906 = arith.addi %add3A_900, %add3A_905 : vector<16xi32>
        %select_n3A_907 = arith.select %lt3A_903, %add3A_906, %add3A_900 : vector<16xi1>, vector<16xi32>
        %broadcast_in_dim3A_908 = vector.shape_cast %select_n3A_907 : vector<16xi32> to vector<16x1xi32>
        %gather3A_909 = vector.shape_cast %broadcast_in_dim3A_908 : vector<16x1xi32> to vector<16xi32>
        %gather3A_910 = tpu.dynamic_gather %select_n3A_90[%gather3A_909] in [0] : vector<16xf32>, vector<16xi32> -> vector<16xf32>
        %add3A_911 = arith.addi %add3A_900, %add3A_900 : vector<16xi32>
        %gt3A_912 = arith.cmpf ogt, %mul3A_862, %gather3A_910 : vector<16xf32>
        %jit3A_913 = arith.constant 1 : i32
        %jit3A_914 = arith.constant 0 : i32
        %broadcast_in_dim3A_915 = vector.broadcast %jit3A_913 : i32 to vector<16xi32>
        %broadcast_in_dim3A_916 = vector.broadcast %jit3A_914 : i32 to vector<16xi32>
        %select_n3A_917 = arith.select %gt3A_912, %broadcast_in_dim3A_915, %broadcast_in_dim3A_916 : vector<16xi1>, vector<16xi32>
        %add3A_918 = arith.addi %add3A_911, %select_n3A_917 : vector<16xi32>
        %lt3A_919 = arith.constant 0 : i32
        %lt3A_920 = vector.broadcast %lt3A_919 : i32 to vector<16xi32>
        %lt3A_921 = arith.cmpi slt, %add3A_918, %lt3A_920 : vector<16xi32>
        %add3A_922 = arith.constant 16 : i32
        %add3A_923 = vector.broadcast %add3A_922 : i32 to vector<16xi32>
        %add3A_924 = arith.addi %add3A_918, %add3A_923 : vector<16xi32>
        %select_n3A_925 = arith.select %lt3A_921, %add3A_924, %add3A_918 : vector<16xi1>, vector<16xi32>
        %broadcast_in_dim3A_926 = vector.shape_cast %select_n3A_925 : vector<16xi32> to vector<16x1xi32>
        %gather3A_927 = vector.shape_cast %broadcast_in_dim3A_926 : vector<16x1xi32> to vector<16xi32>
        %gather3A_928 = tpu.dynamic_gather %select_n3A_90[%gather3A_927] in [0] : vector<16xf32>, vector<16xi32> -> vector<16xf32>
        %add3A_929 = arith.addi %add3A_918, %add3A_918 : vector<16xi32>
        %gt3A_930 = arith.cmpf ogt, %mul3A_862, %gather3A_928 : vector<16xf32>
        %jit3A_931 = arith.constant 1 : i32
        %jit3A_932 = arith.constant 0 : i32
        %broadcast_in_dim3A_933 = vector.broadcast %jit3A_931 : i32 to vector<16xi32>
        %broadcast_in_dim3A_934 = vector.broadcast %jit3A_932 : i32 to vector<16xi32>
        %select_n3A_935 = arith.select %gt3A_930, %broadcast_in_dim3A_933, %broadcast_in_dim3A_934 : vector<16xi1>, vector<16xi32>
        %add3A_936 = arith.addi %add3A_929, %select_n3A_935 : vector<16xi32>
        %sub3A_937 = arith.constant 16 : i32
        %sub3A_938 = vector.broadcast %sub3A_937 : i32 to vector<16xi32>
        %sub3A_939 = arith.subi %add3A_936, %sub3A_938 : vector<16xi32>
        %lt3A_940 = arith.constant 0 : i32
        %lt3A_941 = vector.broadcast %lt3A_940 : i32 to vector<16xi32>
        %lt3A_942 = arith.cmpi slt, %sub3A_939, %lt3A_941 : vector<16xi32>
        %add3A_943 = arith.constant 16 : i32
        %add3A_944 = vector.broadcast %add3A_943 : i32 to vector<16xi32>
        %add3A_945 = arith.addi %sub3A_939, %add3A_944 : vector<16xi32>
        %select_n3A_946 = arith.select %lt3A_942, %add3A_945, %sub3A_939 : vector<16xi1>, vector<16xi32>
        %broadcast_in_dim3A_947 = vector.shape_cast %select_n3A_946 : vector<16xi32> to vector<16x1xi32>
        %gather3A_948 = vector.shape_cast %broadcast_in_dim3A_947 : vector<16x1xi32> to vector<16xi32>
        %gather3A_949 = tpu.dynamic_gather %select_n3A_182[%gather3A_948] in [0] : vector<16xf32>, vector<16xi32> -> vector<16xf32>
        %mul3A_950 = arith.mulf %gather3A_949, %max3A_858 : vector<16xf32>
        %bitcast_convert_type3A_951 = tpu.bitcast %mul3A_950 : vector<16xf32> -> vector<16xi32>
        %add3A_952 = arith.constant 32767 : i32
        %add3A_953 = vector.broadcast %add3A_952 : i32 to vector<16xi32>
        %add3A_954 = arith.addi %bitcast_convert_type3A_951, %add3A_953 : vector<16xi32>
        %shift_right_logical3A_955 = arith.constant 16 : i32
        %shift_right_logical3A_956 = vector.broadcast %shift_right_logical3A_955 : i32 to vector<16xi32>
        %shift_right_logical3A_957 = arith.shrui %bitcast_convert_type3A_951, %shift_right_logical3A_956 : vector<16xi32>
        %and3A_958 = arith.constant 1 : i32
        %and3A_959 = vector.broadcast %and3A_958 : i32 to vector<16xi32>
        %and3A_960 = arith.andi %shift_right_logical3A_957, %and3A_959 : vector<16xi32>
        %add3A_961 = arith.addi %add3A_954, %and3A_960 : vector<16xi32>
        %shift_right_logical3A_962 = arith.constant 16 : i32
        %shift_right_logical3A_963 = vector.broadcast %shift_right_logical3A_962 : i32 to vector<16xi32>
        %shift_right_logical3A_964 = arith.shrui %add3A_961, %shift_right_logical3A_963 : vector<16xi32>
        %mul3A_965 = arith.mulf %get3A_781, %div3A_861 : vector<16xf32>
        %broadcast_in_dim3A_966 = arith.constant 1 : i32
        %broadcast_in_dim3A_967 = vector.broadcast %broadcast_in_dim3A_966 : i32 to vector<16xi32>
        %lt3A_968 = arith.constant 0 : i32
        %lt3A_969 = vector.broadcast %lt3A_968 : i32 to vector<16xi32>
        %lt3A_970 = arith.cmpi slt, %broadcast_in_dim3A_967, %lt3A_969 : vector<16xi32>
        %add3A_971 = arith.constant 16 : i32
        %add3A_972 = vector.broadcast %add3A_971 : i32 to vector<16xi32>
        %add3A_973 = arith.addi %broadcast_in_dim3A_967, %add3A_972 : vector<16xi32>
        %select_n3A_974 = arith.select %lt3A_970, %add3A_973, %broadcast_in_dim3A_967 : vector<16xi1>, vector<16xi32>
        %broadcast_in_dim3A_975 = vector.shape_cast %select_n3A_974 : vector<16xi32> to vector<16x1xi32>
        %gather3A_976 = vector.shape_cast %broadcast_in_dim3A_975 : vector<16x1xi32> to vector<16xi32>
        %gather3A_977 = tpu.dynamic_gather %select_n3A_90[%gather3A_976] in [0] : vector<16xf32>, vector<16xi32> -> vector<16xf32>
        %add3A_978 = arith.addi %broadcast_in_dim3A_967, %broadcast_in_dim3A_967 : vector<16xi32>
        %gt3A_979 = arith.cmpf ogt, %mul3A_965, %gather3A_977 : vector<16xf32>
        %jit3A_980 = arith.constant 1 : i32
        %jit3A_981 = arith.constant 0 : i32
        %broadcast_in_dim3A_982 = vector.broadcast %jit3A_980 : i32 to vector<16xi32>
        %broadcast_in_dim3A_983 = vector.broadcast %jit3A_981 : i32 to vector<16xi32>
        %select_n3A_984 = arith.select %gt3A_979, %broadcast_in_dim3A_982, %broadcast_in_dim3A_983 : vector<16xi1>, vector<16xi32>
        %add3A_985 = arith.addi %add3A_978, %select_n3A_984 : vector<16xi32>
        %lt3A_986 = arith.constant 0 : i32
        %lt3A_987 = vector.broadcast %lt3A_986 : i32 to vector<16xi32>
        %lt3A_988 = arith.cmpi slt, %add3A_985, %lt3A_987 : vector<16xi32>
        %add3A_989 = arith.constant 16 : i32
        %add3A_990 = vector.broadcast %add3A_989 : i32 to vector<16xi32>
        %add3A_991 = arith.addi %add3A_985, %add3A_990 : vector<16xi32>
        %select_n3A_992 = arith.select %lt3A_988, %add3A_991, %add3A_985 : vector<16xi1>, vector<16xi32>
        %broadcast_in_dim3A_993 = vector.shape_cast %select_n3A_992 : vector<16xi32> to vector<16x1xi32>
        %gather3A_994 = vector.shape_cast %broadcast_in_dim3A_993 : vector<16x1xi32> to vector<16xi32>
        %gather3A_995 = tpu.dynamic_gather %select_n3A_90[%gather3A_994] in [0] : vector<16xf32>, vector<16xi32> -> vector<16xf32>
        %add3A_996 = arith.addi %add3A_985, %add3A_985 : vector<16xi32>
        %gt3A_997 = arith.cmpf ogt, %mul3A_965, %gather3A_995 : vector<16xf32>
        %jit3A_998 = arith.constant 1 : i32
        %jit3A_999 = arith.constant 0 : i32
        %broadcast_in_dim3A_1000 = vector.broadcast %jit3A_998 : i32 to vector<16xi32>
        %broadcast_in_dim3A_1001 = vector.broadcast %jit3A_999 : i32 to vector<16xi32>
        %select_n3A_1002 = arith.select %gt3A_997, %broadcast_in_dim3A_1000, %broadcast_in_dim3A_1001 : vector<16xi1>, vector<16xi32>
        %add3A_1003 = arith.addi %add3A_996, %select_n3A_1002 : vector<16xi32>
        %lt3A_1004 = arith.constant 0 : i32
        %lt3A_1005 = vector.broadcast %lt3A_1004 : i32 to vector<16xi32>
        %lt3A_1006 = arith.cmpi slt, %add3A_1003, %lt3A_1005 : vector<16xi32>
        %add3A_1007 = arith.constant 16 : i32
        %add3A_1008 = vector.broadcast %add3A_1007 : i32 to vector<16xi32>
        %add3A_1009 = arith.addi %add3A_1003, %add3A_1008 : vector<16xi32>
        %select_n3A_1010 = arith.select %lt3A_1006, %add3A_1009, %add3A_1003 : vector<16xi1>, vector<16xi32>
        %broadcast_in_dim3A_1011 = vector.shape_cast %select_n3A_1010 : vector<16xi32> to vector<16x1xi32>
        %gather3A_1012 = vector.shape_cast %broadcast_in_dim3A_1011 : vector<16x1xi32> to vector<16xi32>
        %gather3A_1013 = tpu.dynamic_gather %select_n3A_90[%gather3A_1012] in [0] : vector<16xf32>, vector<16xi32> -> vector<16xf32>
        %add3A_1014 = arith.addi %add3A_1003, %add3A_1003 : vector<16xi32>
        %gt3A_1015 = arith.cmpf ogt, %mul3A_965, %gather3A_1013 : vector<16xf32>
        %jit3A_1016 = arith.constant 1 : i32
        %jit3A_1017 = arith.constant 0 : i32
        %broadcast_in_dim3A_1018 = vector.broadcast %jit3A_1016 : i32 to vector<16xi32>
        %broadcast_in_dim3A_1019 = vector.broadcast %jit3A_1017 : i32 to vector<16xi32>
        %select_n3A_1020 = arith.select %gt3A_1015, %broadcast_in_dim3A_1018, %broadcast_in_dim3A_1019 : vector<16xi1>, vector<16xi32>
        %add3A_1021 = arith.addi %add3A_1014, %select_n3A_1020 : vector<16xi32>
        %lt3A_1022 = arith.constant 0 : i32
        %lt3A_1023 = vector.broadcast %lt3A_1022 : i32 to vector<16xi32>
        %lt3A_1024 = arith.cmpi slt, %add3A_1021, %lt3A_1023 : vector<16xi32>
        %add3A_1025 = arith.constant 16 : i32
        %add3A_1026 = vector.broadcast %add3A_1025 : i32 to vector<16xi32>
        %add3A_1027 = arith.addi %add3A_1021, %add3A_1026 : vector<16xi32>
        %select_n3A_1028 = arith.select %lt3A_1024, %add3A_1027, %add3A_1021 : vector<16xi1>, vector<16xi32>
        %broadcast_in_dim3A_1029 = vector.shape_cast %select_n3A_1028 : vector<16xi32> to vector<16x1xi32>
        %gather3A_1030 = vector.shape_cast %broadcast_in_dim3A_1029 : vector<16x1xi32> to vector<16xi32>
        %gather3A_1031 = tpu.dynamic_gather %select_n3A_90[%gather3A_1030] in [0] : vector<16xf32>, vector<16xi32> -> vector<16xf32>
        %add3A_1032 = arith.addi %add3A_1021, %add3A_1021 : vector<16xi32>
        %gt3A_1033 = arith.cmpf ogt, %mul3A_965, %gather3A_1031 : vector<16xf32>
        %jit3A_1034 = arith.constant 1 : i32
        %jit3A_1035 = arith.constant 0 : i32
        %broadcast_in_dim3A_1036 = vector.broadcast %jit3A_1034 : i32 to vector<16xi32>
        %broadcast_in_dim3A_1037 = vector.broadcast %jit3A_1035 : i32 to vector<16xi32>
        %select_n3A_1038 = arith.select %gt3A_1033, %broadcast_in_dim3A_1036, %broadcast_in_dim3A_1037 : vector<16xi1>, vector<16xi32>
        %add3A_1039 = arith.addi %add3A_1032, %select_n3A_1038 : vector<16xi32>
        %sub3A_1040 = arith.constant 16 : i32
        %sub3A_1041 = vector.broadcast %sub3A_1040 : i32 to vector<16xi32>
        %sub3A_1042 = arith.subi %add3A_1039, %sub3A_1041 : vector<16xi32>
        %lt3A_1043 = arith.constant 0 : i32
        %lt3A_1044 = vector.broadcast %lt3A_1043 : i32 to vector<16xi32>
        %lt3A_1045 = arith.cmpi slt, %sub3A_1042, %lt3A_1044 : vector<16xi32>
        %add3A_1046 = arith.constant 16 : i32
        %add3A_1047 = vector.broadcast %add3A_1046 : i32 to vector<16xi32>
        %add3A_1048 = arith.addi %sub3A_1042, %add3A_1047 : vector<16xi32>
        %select_n3A_1049 = arith.select %lt3A_1045, %add3A_1048, %sub3A_1042 : vector<16xi1>, vector<16xi32>
        %broadcast_in_dim3A_1050 = vector.shape_cast %select_n3A_1049 : vector<16xi32> to vector<16x1xi32>
        %gather3A_1051 = vector.shape_cast %broadcast_in_dim3A_1050 : vector<16x1xi32> to vector<16xi32>
        %gather3A_1052 = tpu.dynamic_gather %select_n3A_182[%gather3A_1051] in [0] : vector<16xf32>, vector<16xi32> -> vector<16xf32>
        %mul3A_1053 = arith.mulf %gather3A_1052, %max3A_858 : vector<16xf32>
        %bitcast_convert_type3A_1054 = tpu.bitcast %mul3A_1053 : vector<16xf32> -> vector<16xi32>
        %add3A_1055 = arith.constant 32767 : i32
        %add3A_1056 = vector.broadcast %add3A_1055 : i32 to vector<16xi32>
        %add3A_1057 = arith.addi %bitcast_convert_type3A_1054, %add3A_1056 : vector<16xi32>
        %shift_right_logical3A_1058 = arith.constant 16 : i32
        %shift_right_logical3A_1059 = vector.broadcast %shift_right_logical3A_1058 : i32 to vector<16xi32>
        %shift_right_logical3A_1060 = arith.shrui %bitcast_convert_type3A_1054, %shift_right_logical3A_1059 : vector<16xi32>
        %and3A_1061 = arith.constant 1 : i32
        %and3A_1062 = vector.broadcast %and3A_1061 : i32 to vector<16xi32>
        %and3A_1063 = arith.andi %shift_right_logical3A_1060, %and3A_1062 : vector<16xi32>
        %add3A_1064 = arith.addi %add3A_1057, %and3A_1063 : vector<16xi32>
        %shift_right_logical3A_1065 = arith.constant 16 : i32
        %shift_right_logical3A_1066 = vector.broadcast %shift_right_logical3A_1065 : i32 to vector<16xi32>
        %shift_right_logical3A_1067 = arith.shrui %add3A_1064, %shift_right_logical3A_1066 : vector<16xi32>
        %mul3A_1068 = arith.mulf %get3A_788, %div3A_861 : vector<16xf32>
        %broadcast_in_dim3A_1069 = arith.constant 1 : i32
        %broadcast_in_dim3A_1070 = vector.broadcast %broadcast_in_dim3A_1069 : i32 to vector<16xi32>
        %lt3A_1071 = arith.constant 0 : i32
        %lt3A_1072 = vector.broadcast %lt3A_1071 : i32 to vector<16xi32>
        %lt3A_1073 = arith.cmpi slt, %broadcast_in_dim3A_1070, %lt3A_1072 : vector<16xi32>
        %add3A_1074 = arith.constant 16 : i32
        %add3A_1075 = vector.broadcast %add3A_1074 : i32 to vector<16xi32>
        %add3A_1076 = arith.addi %broadcast_in_dim3A_1070, %add3A_1075 : vector<16xi32>
        %select_n3A_1077 = arith.select %lt3A_1073, %add3A_1076, %broadcast_in_dim3A_1070 : vector<16xi1>, vector<16xi32>
        %broadcast_in_dim3A_1078 = vector.shape_cast %select_n3A_1077 : vector<16xi32> to vector<16x1xi32>
        %gather3A_1079 = vector.shape_cast %broadcast_in_dim3A_1078 : vector<16x1xi32> to vector<16xi32>
        %gather3A_1080 = tpu.dynamic_gather %select_n3A_90[%gather3A_1079] in [0] : vector<16xf32>, vector<16xi32> -> vector<16xf32>
        %add3A_1081 = arith.addi %broadcast_in_dim3A_1070, %broadcast_in_dim3A_1070 : vector<16xi32>
        %gt3A_1082 = arith.cmpf ogt, %mul3A_1068, %gather3A_1080 : vector<16xf32>
        %jit3A_1083 = arith.constant 1 : i32
        %jit3A_1084 = arith.constant 0 : i32
        %broadcast_in_dim3A_1085 = vector.broadcast %jit3A_1083 : i32 to vector<16xi32>
        %broadcast_in_dim3A_1086 = vector.broadcast %jit3A_1084 : i32 to vector<16xi32>
        %select_n3A_1087 = arith.select %gt3A_1082, %broadcast_in_dim3A_1085, %broadcast_in_dim3A_1086 : vector<16xi1>, vector<16xi32>
        %add3A_1088 = arith.addi %add3A_1081, %select_n3A_1087 : vector<16xi32>
        %lt3A_1089 = arith.constant 0 : i32
        %lt3A_1090 = vector.broadcast %lt3A_1089 : i32 to vector<16xi32>
        %lt3A_1091 = arith.cmpi slt, %add3A_1088, %lt3A_1090 : vector<16xi32>
        %add3A_1092 = arith.constant 16 : i32
        %add3A_1093 = vector.broadcast %add3A_1092 : i32 to vector<16xi32>
        %add3A_1094 = arith.addi %add3A_1088, %add3A_1093 : vector<16xi32>
        %select_n3A_1095 = arith.select %lt3A_1091, %add3A_1094, %add3A_1088 : vector<16xi1>, vector<16xi32>
        %broadcast_in_dim3A_1096 = vector.shape_cast %select_n3A_1095 : vector<16xi32> to vector<16x1xi32>
        %gather3A_1097 = vector.shape_cast %broadcast_in_dim3A_1096 : vector<16x1xi32> to vector<16xi32>
        %gather3A_1098 = tpu.dynamic_gather %select_n3A_90[%gather3A_1097] in [0] : vector<16xf32>, vector<16xi32> -> vector<16xf32>
        %add3A_1099 = arith.addi %add3A_1088, %add3A_1088 : vector<16xi32>
        %gt3A_1100 = arith.cmpf ogt, %mul3A_1068, %gather3A_1098 : vector<16xf32>
        %jit3A_1101 = arith.constant 1 : i32
        %jit3A_1102 = arith.constant 0 : i32
        %broadcast_in_dim3A_1103 = vector.broadcast %jit3A_1101 : i32 to vector<16xi32>
        %broadcast_in_dim3A_1104 = vector.broadcast %jit3A_1102 : i32 to vector<16xi32>
        %select_n3A_1105 = arith.select %gt3A_1100, %broadcast_in_dim3A_1103, %broadcast_in_dim3A_1104 : vector<16xi1>, vector<16xi32>
        %add3A_1106 = arith.addi %add3A_1099, %select_n3A_1105 : vector<16xi32>
        %lt3A_1107 = arith.constant 0 : i32
        %lt3A_1108 = vector.broadcast %lt3A_1107 : i32 to vector<16xi32>
        %lt3A_1109 = arith.cmpi slt, %add3A_1106, %lt3A_1108 : vector<16xi32>
        %add3A_1110 = arith.constant 16 : i32
        %add3A_1111 = vector.broadcast %add3A_1110 : i32 to vector<16xi32>
        %add3A_1112 = arith.addi %add3A_1106, %add3A_1111 : vector<16xi32>
        %select_n3A_1113 = arith.select %lt3A_1109, %add3A_1112, %add3A_1106 : vector<16xi1>, vector<16xi32>
        %broadcast_in_dim3A_1114 = vector.shape_cast %select_n3A_1113 : vector<16xi32> to vector<16x1xi32>
        %gather3A_1115 = vector.shape_cast %broadcast_in_dim3A_1114 : vector<16x1xi32> to vector<16xi32>
        %gather3A_1116 = tpu.dynamic_gather %select_n3A_90[%gather3A_1115] in [0] : vector<16xf32>, vector<16xi32> -> vector<16xf32>
        %add3A_1117 = arith.addi %add3A_1106, %add3A_1106 : vector<16xi32>
        %gt3A_1118 = arith.cmpf ogt, %mul3A_1068, %gather3A_1116 : vector<16xf32>
        %jit3A_1119 = arith.constant 1 : i32
        %jit3A_1120 = arith.constant 0 : i32
        %broadcast_in_dim3A_1121 = vector.broadcast %jit3A_1119 : i32 to vector<16xi32>
        %broadcast_in_dim3A_1122 = vector.broadcast %jit3A_1120 : i32 to vector<16xi32>
        %select_n3A_1123 = arith.select %gt3A_1118, %broadcast_in_dim3A_1121, %broadcast_in_dim3A_1122 : vector<16xi1>, vector<16xi32>
        %add3A_1124 = arith.addi %add3A_1117, %select_n3A_1123 : vector<16xi32>
        %lt3A_1125 = arith.constant 0 : i32
        %lt3A_1126 = vector.broadcast %lt3A_1125 : i32 to vector<16xi32>
        %lt3A_1127 = arith.cmpi slt, %add3A_1124, %lt3A_1126 : vector<16xi32>
        %add3A_1128 = arith.constant 16 : i32
        %add3A_1129 = vector.broadcast %add3A_1128 : i32 to vector<16xi32>
        %add3A_1130 = arith.addi %add3A_1124, %add3A_1129 : vector<16xi32>
        %select_n3A_1131 = arith.select %lt3A_1127, %add3A_1130, %add3A_1124 : vector<16xi1>, vector<16xi32>
        %broadcast_in_dim3A_1132 = vector.shape_cast %select_n3A_1131 : vector<16xi32> to vector<16x1xi32>
        %gather3A_1133 = vector.shape_cast %broadcast_in_dim3A_1132 : vector<16x1xi32> to vector<16xi32>
        %gather3A_1134 = tpu.dynamic_gather %select_n3A_90[%gather3A_1133] in [0] : vector<16xf32>, vector<16xi32> -> vector<16xf32>
        %add3A_1135 = arith.addi %add3A_1124, %add3A_1124 : vector<16xi32>
        %gt3A_1136 = arith.cmpf ogt, %mul3A_1068, %gather3A_1134 : vector<16xf32>
        %jit3A_1137 = arith.constant 1 : i32
        %jit3A_1138 = arith.constant 0 : i32
        %broadcast_in_dim3A_1139 = vector.broadcast %jit3A_1137 : i32 to vector<16xi32>
        %broadcast_in_dim3A_1140 = vector.broadcast %jit3A_1138 : i32 to vector<16xi32>
        %select_n3A_1141 = arith.select %gt3A_1136, %broadcast_in_dim3A_1139, %broadcast_in_dim3A_1140 : vector<16xi1>, vector<16xi32>
        %add3A_1142 = arith.addi %add3A_1135, %select_n3A_1141 : vector<16xi32>
        %sub3A_1143 = arith.constant 16 : i32
        %sub3A_1144 = vector.broadcast %sub3A_1143 : i32 to vector<16xi32>
        %sub3A_1145 = arith.subi %add3A_1142, %sub3A_1144 : vector<16xi32>
        %lt3A_1146 = arith.constant 0 : i32
        %lt3A_1147 = vector.broadcast %lt3A_1146 : i32 to vector<16xi32>
        %lt3A_1148 = arith.cmpi slt, %sub3A_1145, %lt3A_1147 : vector<16xi32>
        %add3A_1149 = arith.constant 16 : i32
        %add3A_1150 = vector.broadcast %add3A_1149 : i32 to vector<16xi32>
        %add3A_1151 = arith.addi %sub3A_1145, %add3A_1150 : vector<16xi32>
        %select_n3A_1152 = arith.select %lt3A_1148, %add3A_1151, %sub3A_1145 : vector<16xi1>, vector<16xi32>
        %broadcast_in_dim3A_1153 = vector.shape_cast %select_n3A_1152 : vector<16xi32> to vector<16x1xi32>
        %gather3A_1154 = vector.shape_cast %broadcast_in_dim3A_1153 : vector<16x1xi32> to vector<16xi32>
        %gather3A_1155 = tpu.dynamic_gather %select_n3A_182[%gather3A_1154] in [0] : vector<16xf32>, vector<16xi32> -> vector<16xf32>
        %mul3A_1156 = arith.mulf %gather3A_1155, %max3A_858 : vector<16xf32>
        %bitcast_convert_type3A_1157 = tpu.bitcast %mul3A_1156 : vector<16xf32> -> vector<16xi32>
        %add3A_1158 = arith.constant 32767 : i32
        %add3A_1159 = vector.broadcast %add3A_1158 : i32 to vector<16xi32>
        %add3A_1160 = arith.addi %bitcast_convert_type3A_1157, %add3A_1159 : vector<16xi32>
        %shift_right_logical3A_1161 = arith.constant 16 : i32
        %shift_right_logical3A_1162 = vector.broadcast %shift_right_logical3A_1161 : i32 to vector<16xi32>
        %shift_right_logical3A_1163 = arith.shrui %bitcast_convert_type3A_1157, %shift_right_logical3A_1162 : vector<16xi32>
        %and3A_1164 = arith.constant 1 : i32
        %and3A_1165 = vector.broadcast %and3A_1164 : i32 to vector<16xi32>
        %and3A_1166 = arith.andi %shift_right_logical3A_1163, %and3A_1165 : vector<16xi32>
        %add3A_1167 = arith.addi %add3A_1160, %and3A_1166 : vector<16xi32>
        %shift_right_logical3A_1168 = arith.constant 16 : i32
        %shift_right_logical3A_1169 = vector.broadcast %shift_right_logical3A_1168 : i32 to vector<16xi32>
        %shift_right_logical3A_1170 = arith.shrui %add3A_1167, %shift_right_logical3A_1169 : vector<16xi32>
        %mul3A_1171 = arith.mulf %get3A_795, %div3A_861 : vector<16xf32>
        %broadcast_in_dim3A_1172 = arith.constant 1 : i32
        %broadcast_in_dim3A_1173 = vector.broadcast %broadcast_in_dim3A_1172 : i32 to vector<16xi32>
        %lt3A_1174 = arith.constant 0 : i32
        %lt3A_1175 = vector.broadcast %lt3A_1174 : i32 to vector<16xi32>
        %lt3A_1176 = arith.cmpi slt, %broadcast_in_dim3A_1173, %lt3A_1175 : vector<16xi32>
        %add3A_1177 = arith.constant 16 : i32
        %add3A_1178 = vector.broadcast %add3A_1177 : i32 to vector<16xi32>
        %add3A_1179 = arith.addi %broadcast_in_dim3A_1173, %add3A_1178 : vector<16xi32>
        %select_n3A_1180 = arith.select %lt3A_1176, %add3A_1179, %broadcast_in_dim3A_1173 : vector<16xi1>, vector<16xi32>
        %broadcast_in_dim3A_1181 = vector.shape_cast %select_n3A_1180 : vector<16xi32> to vector<16x1xi32>
        %gather3A_1182 = vector.shape_cast %broadcast_in_dim3A_1181 : vector<16x1xi32> to vector<16xi32>
        %gather3A_1183 = tpu.dynamic_gather %select_n3A_90[%gather3A_1182] in [0] : vector<16xf32>, vector<16xi32> -> vector<16xf32>
        %add3A_1184 = arith.addi %broadcast_in_dim3A_1173, %broadcast_in_dim3A_1173 : vector<16xi32>
        %gt3A_1185 = arith.cmpf ogt, %mul3A_1171, %gather3A_1183 : vector<16xf32>
        %jit3A_1186 = arith.constant 1 : i32
        %jit3A_1187 = arith.constant 0 : i32
        %broadcast_in_dim3A_1188 = vector.broadcast %jit3A_1186 : i32 to vector<16xi32>
        %broadcast_in_dim3A_1189 = vector.broadcast %jit3A_1187 : i32 to vector<16xi32>
        %select_n3A_1190 = arith.select %gt3A_1185, %broadcast_in_dim3A_1188, %broadcast_in_dim3A_1189 : vector<16xi1>, vector<16xi32>
        %add3A_1191 = arith.addi %add3A_1184, %select_n3A_1190 : vector<16xi32>
        %lt3A_1192 = arith.constant 0 : i32
        %lt3A_1193 = vector.broadcast %lt3A_1192 : i32 to vector<16xi32>
        %lt3A_1194 = arith.cmpi slt, %add3A_1191, %lt3A_1193 : vector<16xi32>
        %add3A_1195 = arith.constant 16 : i32
        %add3A_1196 = vector.broadcast %add3A_1195 : i32 to vector<16xi32>
        %add3A_1197 = arith.addi %add3A_1191, %add3A_1196 : vector<16xi32>
        %select_n3A_1198 = arith.select %lt3A_1194, %add3A_1197, %add3A_1191 : vector<16xi1>, vector<16xi32>
        %broadcast_in_dim3A_1199 = vector.shape_cast %select_n3A_1198 : vector<16xi32> to vector<16x1xi32>
        %gather3A_1200 = vector.shape_cast %broadcast_in_dim3A_1199 : vector<16x1xi32> to vector<16xi32>
        %gather3A_1201 = tpu.dynamic_gather %select_n3A_90[%gather3A_1200] in [0] : vector<16xf32>, vector<16xi32> -> vector<16xf32>
        %add3A_1202 = arith.addi %add3A_1191, %add3A_1191 : vector<16xi32>
        %gt3A_1203 = arith.cmpf ogt, %mul3A_1171, %gather3A_1201 : vector<16xf32>
        %jit3A_1204 = arith.constant 1 : i32
        %jit3A_1205 = arith.constant 0 : i32
        %broadcast_in_dim3A_1206 = vector.broadcast %jit3A_1204 : i32 to vector<16xi32>
        %broadcast_in_dim3A_1207 = vector.broadcast %jit3A_1205 : i32 to vector<16xi32>
        %select_n3A_1208 = arith.select %gt3A_1203, %broadcast_in_dim3A_1206, %broadcast_in_dim3A_1207 : vector<16xi1>, vector<16xi32>
        %add3A_1209 = arith.addi %add3A_1202, %select_n3A_1208 : vector<16xi32>
        %lt3A_1210 = arith.constant 0 : i32
        %lt3A_1211 = vector.broadcast %lt3A_1210 : i32 to vector<16xi32>
        %lt3A_1212 = arith.cmpi slt, %add3A_1209, %lt3A_1211 : vector<16xi32>
        %add3A_1213 = arith.constant 16 : i32
        %add3A_1214 = vector.broadcast %add3A_1213 : i32 to vector<16xi32>
        %add3A_1215 = arith.addi %add3A_1209, %add3A_1214 : vector<16xi32>
        %select_n3A_1216 = arith.select %lt3A_1212, %add3A_1215, %add3A_1209 : vector<16xi1>, vector<16xi32>
        %broadcast_in_dim3A_1217 = vector.shape_cast %select_n3A_1216 : vector<16xi32> to vector<16x1xi32>
        %gather3A_1218 = vector.shape_cast %broadcast_in_dim3A_1217 : vector<16x1xi32> to vector<16xi32>
        %gather3A_1219 = tpu.dynamic_gather %select_n3A_90[%gather3A_1218] in [0] : vector<16xf32>, vector<16xi32> -> vector<16xf32>
        %add3A_1220 = arith.addi %add3A_1209, %add3A_1209 : vector<16xi32>
        %gt3A_1221 = arith.cmpf ogt, %mul3A_1171, %gather3A_1219 : vector<16xf32>
        %jit3A_1222 = arith.constant 1 : i32
        %jit3A_1223 = arith.constant 0 : i32
        %broadcast_in_dim3A_1224 = vector.broadcast %jit3A_1222 : i32 to vector<16xi32>
        %broadcast_in_dim3A_1225 = vector.broadcast %jit3A_1223 : i32 to vector<16xi32>
        %select_n3A_1226 = arith.select %gt3A_1221, %broadcast_in_dim3A_1224, %broadcast_in_dim3A_1225 : vector<16xi1>, vector<16xi32>
        %add3A_1227 = arith.addi %add3A_1220, %select_n3A_1226 : vector<16xi32>
        %lt3A_1228 = arith.constant 0 : i32
        %lt3A_1229 = vector.broadcast %lt3A_1228 : i32 to vector<16xi32>
        %lt3A_1230 = arith.cmpi slt, %add3A_1227, %lt3A_1229 : vector<16xi32>
        %add3A_1231 = arith.constant 16 : i32
        %add3A_1232 = vector.broadcast %add3A_1231 : i32 to vector<16xi32>
        %add3A_1233 = arith.addi %add3A_1227, %add3A_1232 : vector<16xi32>
        %select_n3A_1234 = arith.select %lt3A_1230, %add3A_1233, %add3A_1227 : vector<16xi1>, vector<16xi32>
        %broadcast_in_dim3A_1235 = vector.shape_cast %select_n3A_1234 : vector<16xi32> to vector<16x1xi32>
        %gather3A_1236 = vector.shape_cast %broadcast_in_dim3A_1235 : vector<16x1xi32> to vector<16xi32>
        %gather3A_1237 = tpu.dynamic_gather %select_n3A_90[%gather3A_1236] in [0] : vector<16xf32>, vector<16xi32> -> vector<16xf32>
        %add3A_1238 = arith.addi %add3A_1227, %add3A_1227 : vector<16xi32>
        %gt3A_1239 = arith.cmpf ogt, %mul3A_1171, %gather3A_1237 : vector<16xf32>
        %jit3A_1240 = arith.constant 1 : i32
        %jit3A_1241 = arith.constant 0 : i32
        %broadcast_in_dim3A_1242 = vector.broadcast %jit3A_1240 : i32 to vector<16xi32>
        %broadcast_in_dim3A_1243 = vector.broadcast %jit3A_1241 : i32 to vector<16xi32>
        %select_n3A_1244 = arith.select %gt3A_1239, %broadcast_in_dim3A_1242, %broadcast_in_dim3A_1243 : vector<16xi1>, vector<16xi32>
        %add3A_1245 = arith.addi %add3A_1238, %select_n3A_1244 : vector<16xi32>
        %sub3A_1246 = arith.constant 16 : i32
        %sub3A_1247 = vector.broadcast %sub3A_1246 : i32 to vector<16xi32>
        %sub3A_1248 = arith.subi %add3A_1245, %sub3A_1247 : vector<16xi32>
        %lt3A_1249 = arith.constant 0 : i32
        %lt3A_1250 = vector.broadcast %lt3A_1249 : i32 to vector<16xi32>
        %lt3A_1251 = arith.cmpi slt, %sub3A_1248, %lt3A_1250 : vector<16xi32>
        %add3A_1252 = arith.constant 16 : i32
        %add3A_1253 = vector.broadcast %add3A_1252 : i32 to vector<16xi32>
        %add3A_1254 = arith.addi %sub3A_1248, %add3A_1253 : vector<16xi32>
        %select_n3A_1255 = arith.select %lt3A_1251, %add3A_1254, %sub3A_1248 : vector<16xi1>, vector<16xi32>
        %broadcast_in_dim3A_1256 = vector.shape_cast %select_n3A_1255 : vector<16xi32> to vector<16x1xi32>
        %gather3A_1257 = vector.shape_cast %broadcast_in_dim3A_1256 : vector<16x1xi32> to vector<16xi32>
        %gather3A_1258 = tpu.dynamic_gather %select_n3A_182[%gather3A_1257] in [0] : vector<16xf32>, vector<16xi32> -> vector<16xf32>
        %mul3A_1259 = arith.mulf %gather3A_1258, %max3A_858 : vector<16xf32>
        %bitcast_convert_type3A_1260 = tpu.bitcast %mul3A_1259 : vector<16xf32> -> vector<16xi32>
        %add3A_1261 = arith.constant 32767 : i32
        %add3A_1262 = vector.broadcast %add3A_1261 : i32 to vector<16xi32>
        %add3A_1263 = arith.addi %bitcast_convert_type3A_1260, %add3A_1262 : vector<16xi32>
        %shift_right_logical3A_1264 = arith.constant 16 : i32
        %shift_right_logical3A_1265 = vector.broadcast %shift_right_logical3A_1264 : i32 to vector<16xi32>
        %shift_right_logical3A_1266 = arith.shrui %bitcast_convert_type3A_1260, %shift_right_logical3A_1265 : vector<16xi32>
        %and3A_1267 = arith.constant 1 : i32
        %and3A_1268 = vector.broadcast %and3A_1267 : i32 to vector<16xi32>
        %and3A_1269 = arith.andi %shift_right_logical3A_1266, %and3A_1268 : vector<16xi32>
        %add3A_1270 = arith.addi %add3A_1263, %and3A_1269 : vector<16xi32>
        %shift_right_logical3A_1271 = arith.constant 16 : i32
        %shift_right_logical3A_1272 = vector.broadcast %shift_right_logical3A_1271 : i32 to vector<16xi32>
        %shift_right_logical3A_1273 = arith.shrui %add3A_1270, %shift_right_logical3A_1272 : vector<16xi32>
        %shift_left3A = arith.constant 16 : i32
        %shift_left3A_1274 = vector.broadcast %shift_left3A : i32 to vector<16xi32>
        %shift_left3A_1275 = arith.shli %shift_right_logical3A_964, %shift_left3A_1274 : vector<16xi32>
        %or3A = arith.ori %shift_right_logical3A_454, %shift_left3A_1275 : vector<16xi32>
        %add3A_1276 = arith.constant 0 : i32
        %add3A_1277 = arith.addi %mul3A_263, %add3A_1276 : i32
        %multiple_of3A_1278 = tpu.assume_multiple %add3A_1277, 16 : i32
        %swap3A = arith.index_cast %select_n3A_246 : i32 to index
        %swap3A_1279 = arith.index_cast %multiple_of3A_1278 : i32 to index
        %swap3A_1280 = tpu.vector_load %arg5[%swap3A, %swap3A_1279] {strides = array<i32>} : memref<8x2048xi32, #tpu.memory_space<vmem>>, vector<1x16xi32>,
        %swap3A_1281 = vector.shape_cast %swap3A_1280 : vector<1x16xi32> to vector<16xi32>
        %swap3A_1282 = vector.shape_cast %or3A : vector<16xi32> to vector<1x16xi32>
        tpu.vector_store %arg5[%swap3A, %swap3A_1279], %swap3A_1282 {strides = array<i32>} : memref<8x2048xi32, #tpu.memory_space<vmem>>, vector<1x16xi32>,
        %shift_left3A_1283 = arith.constant 16 : i32
        %shift_left3A_1284 = vector.broadcast %shift_left3A_1283 : i32 to vector<16xi32>
        %shift_left3A_1285 = arith.shli %shift_right_logical3A_1067, %shift_left3A_1284 : vector<16xi32>
        %or3A_1286 = arith.ori %shift_right_logical3A_557, %shift_left3A_1285 : vector<16xi32>
        %add3A_1287 = arith.constant 16 : i32
        %add3A_1288 = arith.addi %mul3A_263, %add3A_1287 : i32
        %multiple_of3A_1289 = tpu.assume_multiple %add3A_1288, 16 : i32
        %swap3A_1290 = arith.index_cast %select_n3A_246 : i32 to index
        %swap3A_1291 = arith.index_cast %multiple_of3A_1289 : i32 to index
        %swap3A_1292 = tpu.vector_load %arg5[%swap3A_1290, %swap3A_1291] {strides = array<i32>} : memref<8x2048xi32, #tpu.memory_space<vmem>>, vector<1x16xi32>,
        %swap3A_1293 = vector.shape_cast %swap3A_1292 : vector<1x16xi32> to vector<16xi32>
        %swap3A_1294 = vector.shape_cast %or3A_1286 : vector<16xi32> to vector<1x16xi32>
        tpu.vector_store %arg5[%swap3A_1290, %swap3A_1291], %swap3A_1294 {strides = array<i32>} : memref<8x2048xi32, #tpu.memory_space<vmem>>, vector<1x16xi32>,
        %shift_left3A_1295 = arith.constant 16 : i32
        %shift_left3A_1296 = vector.broadcast %shift_left3A_1295 : i32 to vector<16xi32>
        %shift_left3A_1297 = arith.shli %shift_right_logical3A_1170, %shift_left3A_1296 : vector<16xi32>
        %or3A_1298 = arith.ori %shift_right_logical3A_660, %shift_left3A_1297 : vector<16xi32>
        %add3A_1299 = arith.constant 32 : i32
        %add3A_1300 = arith.addi %mul3A_263, %add3A_1299 : i32
        %multiple_of3A_1301 = tpu.assume_multiple %add3A_1300, 16 : i32
        %swap3A_1302 = arith.index_cast %select_n3A_246 : i32 to index
        %swap3A_1303 = arith.index_cast %multiple_of3A_1301 : i32 to index
        %swap3A_1304 = tpu.vector_load %arg5[%swap3A_1302, %swap3A_1303] {strides = array<i32>} : memref<8x2048xi32, #tpu.memory_space<vmem>>, vector<1x16xi32>,
        %swap3A_1305 = vector.shape_cast %swap3A_1304 : vector<1x16xi32> to vector<16xi32>
        %swap3A_1306 = vector.shape_cast %or3A_1298 : vector<16xi32> to vector<1x16xi32>
        tpu.vector_store %arg5[%swap3A_1302, %swap3A_1303], %swap3A_1306 {strides = array<i32>} : memref<8x2048xi32, #tpu.memory_space<vmem>>, vector<1x16xi32>,
        %shift_left3A_1307 = arith.constant 16 : i32
        %shift_left3A_1308 = vector.broadcast %shift_left3A_1307 : i32 to vector<16xi32>
        %shift_left3A_1309 = arith.shli %shift_right_logical3A_1273, %shift_left3A_1308 : vector<16xi32>
        %or3A_1310 = arith.ori %shift_right_logical3A_763, %shift_left3A_1309 : vector<16xi32>
        %add3A_1311 = arith.constant 48 : i32
        %add3A_1312 = arith.addi %mul3A_263, %add3A_1311 : i32
        %multiple_of3A_1313 = tpu.assume_multiple %add3A_1312, 16 : i32
        %swap3A_1314 = arith.index_cast %select_n3A_246 : i32 to index
        %swap3A_1315 = arith.index_cast %multiple_of3A_1313 : i32 to index
        %swap3A_1316 = tpu.vector_load %arg5[%swap3A_1314, %swap3A_1315] {strides = array<i32>} : memref<8x2048xi32, #tpu.memory_space<vmem>>, vector<1x16xi32>,
        %swap3A_1317 = vector.shape_cast %swap3A_1316 : vector<1x16xi32> to vector<16xi32>
        %swap3A_1318 = vector.shape_cast %or3A_1310 : vector<16xi32> to vector<1x16xi32>
        tpu.vector_store %arg5[%swap3A_1314, %swap3A_1315], %swap3A_1318 {strides = array<i32>} : memref<8x2048xi32, #tpu.memory_space<vmem>>, vector<1x16xi32>,
        %scan3A_1319 = arith.constant 0 : i32
        scf.yield %scan3A_1319 : i32
      }
      %scan3A_200 = arith.constant 256 : i32
      %jit3A_201 = arith.constant 2 : i32
      %div3A = arith.divsi %multiple_of3A, %jit3A_201 : i32
      %sign3A = arith.constant 0 : i32
      %sign3A_202 = arith.cmpi sgt, %multiple_of3A, %sign3A : i32
      %sign3A_203 = arith.extui %sign3A_202 : i1 to i32
      %sign3A_204 = arith.constant 0 : i32
      %sign3A_205 = arith.cmpi slt, %multiple_of3A, %sign3A_204 : i32
      %sign3A_206 = arith.extui %sign3A_205 : i1 to i32
      %sign3A_207 = arith.subi %sign3A_203, %sign3A_206 : i32
      %sign3A_208 = arith.constant 0 : i32
      %sign3A_209 = arith.cmpi sgt, %jit3A_201, %sign3A_208 : i32
      %sign3A_210 = arith.extui %sign3A_209 : i1 to i32
      %sign3A_211 = arith.constant 0 : i32
      %sign3A_212 = arith.cmpi slt, %jit3A_201, %sign3A_211 : i32
      %sign3A_213 = arith.extui %sign3A_212 : i1 to i32
      %sign3A_214 = arith.subi %sign3A_210, %sign3A_213 : i32
      %ne3A = arith.cmpi ne, %sign3A_207, %sign3A_214 : i32
      %rem3A = arith.remsi %multiple_of3A, %jit3A_201 : i32
      %ne3A_215 = arith.constant 0 : i32
      %ne3A_216 = arith.cmpi ne, %rem3A, %ne3A_215 : i32
      %and3A = arith.andi %ne3A, %ne3A_216 : i1
      %sub3A = arith.constant 1 : i32
      %sub3A_217 = arith.subi %div3A, %sub3A : i32
      %select_n3A_218 = arith.select %and3A, %sub3A_217, %div3A : i32
      %multiple_of3A_219 = tpu.assume_multiple %select_n3A_218, 8 : i32
      "tpu.region"() ({
        %run_scoped3A = tpu.sem_alloc : memref<!tpu.dma_semaphore, #tpu.memory_space<semaphore_mem>>
        %dma_start3A = arith.constant 0 : i32
        %dma_start3A_221 = tpu.memref_slice %arg3[%multiple_of3A_219, %dma_start3A] : memref<768x2048xi32, #tpu.memory_space<hbm>> -> memref<8x2048xi32, #tpu.memory_space<hbm>>
        %dma_start3A_222 = arith.constant 0 : i32
        %dma_start3A_223 = tpu.memref_slice %arg3[%multiple_of3A_219, %dma_start3A_222] : memref<768x2048xi32, #tpu.memory_space<hbm>> -> memref<8x2048xi32, #tpu.memory_space<hbm>>
        tpu.enqueue_dma source(%arg5 : memref<8x2048xi32, #tpu.memory_space<vmem>>) target(%dma_start3A_223 : memref<8x2048xi32, #tpu.memory_space<hbm>>) target_semaphore(%run_scoped3A : memref<!tpu.dma_semaphore, #tpu.memory_space<semaphore_mem>>)
        %dma_wait3A = arith.constant 0 : i32
        %dma_wait3A_224 = tpu.memref_slice %arg3[%multiple_of3A_219, %dma_wait3A] : memref<768x2048xi32, #tpu.memory_space<hbm>> -> memref<8x2048xi32, #tpu.memory_space<hbm>>
        %dma_wait3A_225 = arith.constant 0 : i32
        %dma_wait3A_226 = tpu.memref_slice %arg3[%multiple_of3A_219, %dma_wait3A_225] : memref<768x2048xi32, #tpu.memory_space<hbm>> -> memref<8x2048xi32, #tpu.memory_space<hbm>>
        tpu.wait_dma2 semaphore(%run_scoped3A : memref<!tpu.dma_semaphore, #tpu.memory_space<semaphore_mem>>) src(%arg5 : memref<8x2048xi32, #tpu.memory_space<vmem>>) dst(%dma_wait3A_226 : memref<8x2048xi32, #tpu.memory_space<hbm>>)
        tpu.yield
      }) : () -> ()
      %scan3A_220 = arith.constant 0 : i32
      scf.yield %scan3A_220 : i32
    }
    %scan3A_188 = arith.constant 3 : i32
    return
  }
}

module attributes {stable_mosaic.version = 14 : i64} {
  func.func @_tc_dequant_body(%arg0: i32, %arg1: memref<256x2048xf32, #tpu.memory_space<vmem>>, %arg2: memref<256x2048xbf16, #tpu.memory_space<vmem>>) attributes {dimension_semantics = [#tpu.dimension_semantics<arbitrary>], iteration_bounds = array<i64: 2>, scalar_prefetch = 0 : i64, scratch_operands = 0 : i64, tpu.core_type = #tpu.core_type<tc>, window_params = [{transform_indices = @transform_0, window_bounds = array<i64: 256, 2048>}, {transform_indices = @transform_1, window_bounds = array<i64: 256, 2048>}]} {
    %get3A = arith.constant 0 : index
    %get3A_0 = arith.constant 0 : index
    %get3A_1 = vector.load %arg1[%get3A, %get3A_0] : memref<256x2048xf32, #tpu.memory_space<vmem>>, vector<256x2048xf32>
    %abs3A = math.absf %get3A_1 : vector<256x2048xf32>
    %iota3A = tpu.iota {dimensions = array<i32: 1>} : vector<256x2048xi32>
    %roll3A = arith.constant 1 : i32
    %roll3A_2 = tpu.dynamic_rotate %abs3A by %roll3A dim 1 : vector<256x2048xf32>, i32 -> vector<256x2048xf32>
    %max3A = arith.maximumf %abs3A, %roll3A_2 : vector<256x2048xf32>
    %roll3A_3 = arith.constant 2 : i32
    %roll3A_4 = tpu.dynamic_rotate %max3A by %roll3A_3 dim 1 : vector<256x2048xf32>, i32 -> vector<256x2048xf32>
    %max3A_5 = arith.maximumf %max3A, %roll3A_4 : vector<256x2048xf32>
    %roll3A_6 = arith.constant 4 : i32
    %roll3A_7 = tpu.dynamic_rotate %max3A_5 by %roll3A_6 dim 1 : vector<256x2048xf32>, i32 -> vector<256x2048xf32>
    %max3A_8 = arith.maximumf %max3A_5, %roll3A_7 : vector<256x2048xf32>
    %roll3A_9 = arith.constant 8 : i32
    %roll3A_10 = tpu.dynamic_rotate %max3A_8 by %roll3A_9 dim 1 : vector<256x2048xf32>, i32 -> vector<256x2048xf32>
    %max3A_11 = arith.maximumf %max3A_8, %roll3A_10 : vector<256x2048xf32>
    %roll3A_12 = arith.constant 16 : i32
    %roll3A_13 = tpu.dynamic_rotate %max3A_11 by %roll3A_12 dim 1 : vector<256x2048xf32>, i32 -> vector<256x2048xf32>
    %max3A_14 = arith.maximumf %max3A_11, %roll3A_13 : vector<256x2048xf32>
    %roll3A_15 = arith.constant 32 : i32
    %roll3A_16 = tpu.dynamic_rotate %max3A_14 by %roll3A_15 dim 1 : vector<256x2048xf32>, i32 -> vector<256x2048xf32>
    %max3A_17 = arith.maximumf %max3A_14, %roll3A_16 : vector<256x2048xf32>
    %jit3A = arith.constant 64 : i32
    %eq3A = arith.constant 0 : i32
    %eq3A_18 = arith.cmpi eq, %jit3A, %eq3A : i32
    %jit3A_19 = arith.constant 1 : i32
    %select_n3A = arith.select %eq3A_18, %jit3A_19, %jit3A : i32
    %rem3A = vector.broadcast %select_n3A : i32 to vector<256x2048xi32>
    %rem3A_20 = arith.remsi %iota3A, %rem3A : vector<256x2048xi32>
    %ne3A = arith.constant 0 : i32
    %ne3A_21 = vector.broadcast %ne3A : i32 to vector<256x2048xi32>
    %ne3A_22 = arith.cmpi ne, %rem3A_20, %ne3A_21 : vector<256x2048xi32>
    %lt3A = arith.constant 0 : i32
    %lt3A_23 = vector.broadcast %lt3A : i32 to vector<256x2048xi32>
    %lt3A_24 = arith.cmpi slt, %rem3A_20, %lt3A_23 : vector<256x2048xi32>
    %lt3A_25 = arith.constant 0 : i32
    %lt3A_26 = arith.cmpi slt, %select_n3A, %lt3A_25 : i32
    %ne3A_27 = vector.broadcast %lt3A_26 : i1 to vector<256x2048xi1>
    %ne3A_28 = vector.broadcast %ne3A_27 : vector<256x2048xi1> to vector<256x2048xi1>
    %ne3A_29 = arith.xori %lt3A_24, %ne3A_28 : vector<256x2048xi1>
    %and3A = arith.andi %ne3A_29, %ne3A_22 : vector<256x2048xi1>
    %add3A = vector.broadcast %select_n3A : i32 to vector<256x2048xi32>
    %add3A_30 = arith.addi %rem3A_20, %add3A : vector<256x2048xi32>
    %select_n3A_31 = arith.select %and3A, %add3A_30, %rem3A_20 : vector<256x2048xi1>, vector<256x2048xi32>
    %eq3A_32 = arith.constant 63 : i32
    %eq3A_33 = vector.broadcast %eq3A_32 : i32 to vector<256x2048xi32>
    %eq3A_34 = arith.cmpi eq, %select_n3A_31, %eq3A_33 : vector<256x2048xi32>
    %jit3A_35 = arith.constant 0.000000e+00 : f32
    %broadcast_in_dim3A = vector.broadcast %jit3A_35 : f32 to vector<256x2048xf32>
    %select_n3A_36 = arith.select %eq3A_34, %max3A_17, %broadcast_in_dim3A : vector<256x2048xi1>, vector<256x2048xf32>
    %roll3A_37 = arith.constant 2047 : i32
    %roll3A_38 = tpu.dynamic_rotate %select_n3A_36 by %roll3A_37 dim 1 : vector<256x2048xf32>, i32 -> vector<256x2048xf32>
    %max3A_39 = arith.maximumf %select_n3A_36, %roll3A_38 : vector<256x2048xf32>
    %roll3A_40 = arith.constant 2046 : i32
    %roll3A_41 = tpu.dynamic_rotate %max3A_39 by %roll3A_40 dim 1 : vector<256x2048xf32>, i32 -> vector<256x2048xf32>
    %max3A_42 = arith.maximumf %max3A_39, %roll3A_41 : vector<256x2048xf32>
    %roll3A_43 = arith.constant 2044 : i32
    %roll3A_44 = tpu.dynamic_rotate %max3A_42 by %roll3A_43 dim 1 : vector<256x2048xf32>, i32 -> vector<256x2048xf32>
    %max3A_45 = arith.maximumf %max3A_42, %roll3A_44 : vector<256x2048xf32>
    %roll3A_46 = arith.constant 2040 : i32
    %roll3A_47 = tpu.dynamic_rotate %max3A_45 by %roll3A_46 dim 1 : vector<256x2048xf32>, i32 -> vector<256x2048xf32>
    %max3A_48 = arith.maximumf %max3A_45, %roll3A_47 : vector<256x2048xf32>
    %roll3A_49 = arith.constant 2032 : i32
    %roll3A_50 = tpu.dynamic_rotate %max3A_48 by %roll3A_49 dim 1 : vector<256x2048xf32>, i32 -> vector<256x2048xf32>
    %max3A_51 = arith.maximumf %max3A_48, %roll3A_50 : vector<256x2048xf32>
    %roll3A_52 = arith.constant 2016 : i32
    %roll3A_53 = tpu.dynamic_rotate %max3A_51 by %roll3A_52 dim 1 : vector<256x2048xf32>, i32 -> vector<256x2048xf32>
    %max3A_54 = arith.maximumf %max3A_51, %roll3A_53 : vector<256x2048xf32>
    %div3A = arith.divf %get3A_1, %max3A_54 : vector<256x2048xf32>
    %broadcast_in_dim3A_55 = arith.constant 1.000000e+00 : f32
    %broadcast_in_dim3A_56 = vector.broadcast %broadcast_in_dim3A_55 : f32 to vector<256x2048xf32>
    %gt3A = arith.constant 0.861478328 : f32
    %gt3A_57 = vector.broadcast %gt3A : f32 to vector<256x2048xf32>
    %gt3A_58 = arith.cmpf ogt, %div3A, %gt3A_57 : vector<256x2048xf32>
    %jit3A_59 = arith.constant 0.722956717 : f32
    %broadcast_in_dim3A_60 = vector.broadcast %jit3A_59 : f32 to vector<256x2048xf32>
    %select_n3A_61 = arith.select %gt3A_58, %broadcast_in_dim3A_56, %broadcast_in_dim3A_60 : vector<256x2048xi1>, vector<256x2048xf32>
    %gt3A_62 = arith.constant 0.642786741 : f32
    %gt3A_63 = vector.broadcast %gt3A_62 : f32 to vector<256x2048xf32>
    %gt3A_64 = arith.cmpf ogt, %div3A, %gt3A_63 : vector<256x2048xf32>
    %jit3A_65 = arith.constant 0.562616825 : f32
    %broadcast_in_dim3A_66 = vector.broadcast %jit3A_65 : f32 to vector<256x2048xf32>
    %select_n3A_67 = arith.select %gt3A_64, %select_n3A_61, %broadcast_in_dim3A_66 : vector<256x2048xi1>, vector<256x2048xf32>
    %gt3A_68 = arith.constant 0.501663327 : f32
    %gt3A_69 = vector.broadcast %gt3A_68 : f32 to vector<256x2048xf32>
    %gt3A_70 = arith.cmpf ogt, %div3A, %gt3A_69 : vector<256x2048xf32>
    %jit3A_71 = arith.constant 0.4407098 : f32
    %broadcast_in_dim3A_72 = vector.broadcast %jit3A_71 : f32 to vector<256x2048xf32>
    %select_n3A_73 = arith.select %gt3A_70, %select_n3A_67, %broadcast_in_dim3A_72 : vector<256x2048xi1>, vector<256x2048xf32>
    %gt3A_74 = arith.constant 0.389312506 : f32
    %gt3A_75 = vector.broadcast %gt3A_74 : f32 to vector<256x2048xf32>
    %gt3A_76 = arith.cmpf ogt, %div3A, %gt3A_75 : vector<256x2048xf32>
    %jit3A_77 = arith.constant 0.337915242 : f32
    %broadcast_in_dim3A_78 = vector.broadcast %jit3A_77 : f32 to vector<256x2048xf32>
    %select_n3A_79 = arith.select %gt3A_76, %select_n3A_73, %broadcast_in_dim3A_78 : vector<256x2048xi1>, vector<256x2048xf32>
    %gt3A_80 = arith.constant 0.292013764 : f32
    %gt3A_81 = vector.broadcast %gt3A_80 : f32 to vector<256x2048xf32>
    %gt3A_82 = arith.cmpf ogt, %div3A, %gt3A_81 : vector<256x2048xf32>
    %jit3A_83 = arith.constant 0.246112272 : f32
    %broadcast_in_dim3A_84 = vector.broadcast %jit3A_83 : f32 to vector<256x2048xf32>
    %select_n3A_85 = arith.select %gt3A_82, %select_n3A_79, %broadcast_in_dim3A_84 : vector<256x2048xi1>, vector<256x2048xf32>
    %gt3A_86 = arith.constant 0.203521222 : f32
    %gt3A_87 = vector.broadcast %gt3A_86 : f32 to vector<256x2048xf32>
    %gt3A_88 = arith.cmpf ogt, %div3A, %gt3A_87 : vector<256x2048xf32>
    %jit3A_89 = arith.constant 0.160930187 : f32
    %broadcast_in_dim3A_90 = vector.broadcast %jit3A_89 : f32 to vector<256x2048xf32>
    %select_n3A_91 = arith.select %gt3A_88, %select_n3A_85, %broadcast_in_dim3A_90 : vector<256x2048xi1>, vector<256x2048xf32>
    %gt3A_92 = arith.constant 0.120255247 : f32
    %gt3A_93 = vector.broadcast %gt3A_92 : f32 to vector<256x2048xf32>
    %gt3A_94 = arith.cmpf ogt, %div3A, %gt3A_93 : vector<256x2048xf32>
    %jit3A_95 = arith.constant 0.079580307 : f32
    %broadcast_in_dim3A_96 = vector.broadcast %jit3A_95 : f32 to vector<256x2048xf32>
    %select_n3A_97 = arith.select %gt3A_94, %select_n3A_91, %broadcast_in_dim3A_96 : vector<256x2048xi1>, vector<256x2048xf32>
    %gt3A_98 = arith.constant 0.0397901535 : f32
    %gt3A_99 = vector.broadcast %gt3A_98 : f32 to vector<256x2048xf32>
    %gt3A_100 = arith.cmpf ogt, %div3A, %gt3A_99 : vector<256x2048xf32>
    %jit3A_101 = arith.constant 0.000000e+00 : f32
    %broadcast_in_dim3A_102 = vector.broadcast %jit3A_101 : f32 to vector<256x2048xf32>
    %select_n3A_103 = arith.select %gt3A_100, %select_n3A_97, %broadcast_in_dim3A_102 : vector<256x2048xi1>, vector<256x2048xf32>
    %gt3A_104 = arith.constant -0.0455249697 : f32
    %gt3A_105 = vector.broadcast %gt3A_104 : f32 to vector<256x2048xf32>
    %gt3A_106 = arith.cmpf ogt, %div3A, %gt3A_105 : vector<256x2048xf32>
    %jit3A_107 = arith.constant -0.0910499393 : f32
    %broadcast_in_dim3A_108 = vector.broadcast %jit3A_107 : f32 to vector<256x2048xf32>
    %select_n3A_109 = arith.select %gt3A_106, %select_n3A_103, %broadcast_in_dim3A_108 : vector<256x2048xi1>, vector<256x2048xf32>
    %gt3A_110 = arith.constant -0.137911677 : f32
    %gt3A_111 = vector.broadcast %gt3A_110 : f32 to vector<256x2048xf32>
    %gt3A_112 = arith.cmpf ogt, %div3A, %gt3A_111 : vector<256x2048xf32>
    %jit3A_113 = arith.constant -0.184773415 : f32
    %broadcast_in_dim3A_114 = vector.broadcast %jit3A_113 : f32 to vector<256x2048xf32>
    %select_n3A_115 = arith.select %gt3A_112, %select_n3A_109, %broadcast_in_dim3A_114 : vector<256x2048xi1>, vector<256x2048xf32>
    %gt3A_116 = arith.constant -0.234607339 : f32
    %gt3A_117 = vector.broadcast %gt3A_116 : f32 to vector<256x2048xf32>
    %gt3A_118 = arith.cmpf ogt, %div3A, %gt3A_117 : vector<256x2048xf32>
    %jit3A_119 = arith.constant -0.284441262 : f32
    %broadcast_in_dim3A_120 = vector.broadcast %jit3A_119 : f32 to vector<256x2048xf32>
    %select_n3A_121 = arith.select %gt3A_118, %select_n3A_115, %broadcast_in_dim3A_120 : vector<256x2048xi1>, vector<256x2048xf32>
    %gt3A_122 = arith.constant -0.33967936 : f32
    %gt3A_123 = vector.broadcast %gt3A_122 : f32 to vector<256x2048xf32>
    %gt3A_124 = arith.cmpf ogt, %div3A, %gt3A_123 : vector<256x2048xf32>
    %jit3A_125 = arith.constant -0.394917428 : f32
    %broadcast_in_dim3A_126 = vector.broadcast %jit3A_125 : f32 to vector<256x2048xf32>
    %select_n3A_127 = arith.select %gt3A_124, %select_n3A_121, %broadcast_in_dim3A_126 : vector<256x2048xi1>, vector<256x2048xf32>
    %gt3A_128 = arith.constant -0.45999521 : f32
    %gt3A_129 = vector.broadcast %gt3A_128 : f32 to vector<256x2048xf32>
    %gt3A_130 = arith.cmpf ogt, %div3A, %gt3A_129 : vector<256x2048xf32>
    %jit3A_131 = arith.constant -5.250730e-01 : f32
    %broadcast_in_dim3A_132 = vector.broadcast %jit3A_131 : f32 to vector<256x2048xf32>
    %select_n3A_133 = arith.select %gt3A_130, %select_n3A_127, %broadcast_in_dim3A_132 : vector<256x2048xi1>, vector<256x2048xf32>
    %gt3A_134 = arith.constant -6.106330e-01 : f32
    %gt3A_135 = vector.broadcast %gt3A_134 : f32 to vector<256x2048xf32>
    %gt3A_136 = arith.cmpf ogt, %div3A, %gt3A_135 : vector<256x2048xf32>
    %jit3A_137 = arith.constant -6.961930e-01 : f32
    %broadcast_in_dim3A_138 = vector.broadcast %jit3A_137 : f32 to vector<256x2048xf32>
    %select_n3A_139 = arith.select %gt3A_136, %select_n3A_133, %broadcast_in_dim3A_138 : vector<256x2048xi1>, vector<256x2048xf32>
    %gt3A_140 = arith.constant -0.848096489 : f32
    %gt3A_141 = vector.broadcast %gt3A_140 : f32 to vector<256x2048xf32>
    %gt3A_142 = arith.cmpf ogt, %div3A, %gt3A_141 : vector<256x2048xf32>
    %jit3A_143 = arith.constant -1.000000e+00 : f32
    %broadcast_in_dim3A_144 = vector.broadcast %jit3A_143 : f32 to vector<256x2048xf32>
    %select_n3A_145 = arith.select %gt3A_142, %select_n3A_139, %broadcast_in_dim3A_144 : vector<256x2048xi1>, vector<256x2048xf32>
    %mul3A = arith.mulf %select_n3A_145, %max3A_54 : vector<256x2048xf32>
    %convert_element_type3A = arith.truncf %mul3A : vector<256x2048xf32> to vector<256x2048xbf16>
    %swap3A = arith.constant 0 : index
    %swap3A_146 = arith.constant 0 : index
    %swap3A_147 = vector.load %arg2[%swap3A, %swap3A_146] : memref<256x2048xbf16, #tpu.memory_space<vmem>>, vector<256x2048xbf16>
    tpu.vector_store %arg2[%swap3A, %swap3A_146], %convert_element_type3A {strides = array<i32>} : memref<256x2048xbf16, #tpu.memory_space<vmem>>, vector<256x2048xbf16>,
    return
  }
  func.func @transform_0(%arg0: i32) -> (i32, i32) {
    %add3A = arith.constant 6 : i32
    %add3A_0 = arith.addi %arg0, %add3A : i32
    %c0_i32 = arith.constant 0 : i32
    %c0_i32_1 = arith.constant 0 : i32
    return %add3A_0, %c0_i32 : i32, i32
  }
  func.func @transform_1(%arg0: i32) -> (i32, i32) {
    %c0_i32 = arith.constant 0 : i32
    %c0_i32_0 = arith.constant 0 : i32
    return %arg0, %c0_i32 : i32, i32
  }
}

module attributes {stable_mosaic.version = 14 : i64} {
  func.func @_xa_body(%arg0: memref<2048x2048xf32, #tpu.memory_space<vmem>>, %arg1: memref<64x2048xbf16, #tpu.memory_space<vmem>>, %arg2: memref<2048x64xbf16, #tpu.memory_space<vmem>>, %arg3: memref<2048x2048xbf16, #tpu.memory_space<vmem>>) attributes {dimension_semantics = [], scalar_prefetch = 0 : i64, scratch_operands = 0 : i64, tpu.core_type = #tpu.core_type<tc>} {
    %get3A = arith.constant 0 : index
    %get3A_0 = arith.constant 0 : index
    %get3A_1 = vector.load %arg0[%get3A, %get3A_0] : memref<2048x2048xf32, #tpu.memory_space<vmem>>, vector<2048x2048xf32>
    %convert_element_type3A = arith.truncf %get3A_1 : vector<2048x2048xf32> to vector<2048x2048xbf16>
    %swap3A = arith.constant 0 : index
    %swap3A_2 = arith.constant 0 : index
    %swap3A_3 = vector.load %arg3[%swap3A, %swap3A_2] : memref<2048x2048xbf16, #tpu.memory_space<vmem>>, vector<2048x2048xbf16>
    tpu.vector_store %arg3[%swap3A, %swap3A_2], %convert_element_type3A {strides = array<i32>} : memref<2048x2048xbf16, #tpu.memory_space<vmem>>, vector<2048x2048xbf16>,
    %get3A_4 = arith.constant 0 : index
    %get3A_5 = arith.constant 0 : index
    %get3A_6 = vector.load %arg1[%get3A_4, %get3A_5] : memref<64x2048xbf16, #tpu.memory_space<vmem>>, vector<64x2048xbf16>
    %dot_general3A = arith.constant dense<0.000000e+00> : vector<2048x64xf32>
    %dot_general3A_7 = tpu.matmul %convert_element_type3A, %get3A_6, %dot_general3A {dimension_numbers = #tpu.dot_dimension_numbers<[1], [1], [0], [0], [0, 0, 1, 0], [], []>, transpose_lhs_hint = false} : vector<2048x2048xbf16>, vector<64x2048xbf16>, vector<2048x64xf32> -> vector<2048x64xf32>
    %convert_element_type3A_8 = arith.truncf %dot_general3A_7 : vector<2048x64xf32> to vector<2048x64xbf16>
    %swap3A_9 = arith.constant 0 : index
    %swap3A_10 = arith.constant 0 : index
    %swap3A_11 = vector.load %arg2[%swap3A_9, %swap3A_10] : memref<2048x64xbf16, #tpu.memory_space<vmem>>, vector<2048x64xbf16>
    tpu.vector_store %arg2[%swap3A_9, %swap3A_10], %convert_element_type3A_8 {strides = array<i32>} : memref<2048x64xbf16, #tpu.memory_space<vmem>>, vector<2048x64xbf16>,
    return
  }
}

module attributes {stable_mosaic.version = 14 : i64} {
  func.func @_mm_body(%arg0: i32, %arg1: memref<2048x2048xbf16, #tpu.memory_space<vmem>>, %arg2: memref<256x2048xi32, #tpu.memory_space<vmem>>, %arg3: memref<512x2048xbf16, #tpu.memory_space<vmem>>, %arg4: memref<2048x64xbf16, #tpu.memory_space<vmem>>, %arg5: memref<512x64xbf16, #tpu.memory_space<vmem>>, %arg6: memref<1x512xf32, #tpu.memory_space<vmem>>, %arg7: memref<2048x512xf32, #tpu.memory_space<vmem>>) attributes {dimension_semantics = [#tpu.dimension_semantics<arbitrary>], iteration_bounds = array<i64: 4>, scalar_prefetch = 0 : i64, scratch_operands = 0 : i64, tpu.core_type = #tpu.core_type<tc>, window_params = [{pipeline_mode = #tpu.pipeline_mode<synchronous>, transform_indices = @transform_0, window_bounds = array<i64: 2048, 2048>}, {transform_indices = @transform_1, window_bounds = array<i64: 256, 2048>}, {transform_indices = @transform_2, window_bounds = array<i64: 512, 2048>}, {pipeline_mode = #tpu.pipeline_mode<synchronous>, transform_indices = @transform_3, window_bounds = array<i64: 2048, 64>}, {transform_indices = @transform_4, window_bounds = array<i64: 512, 64>}, {transform_indices = @transform_5, window_bounds = array<i64: 1, 512>}, {transform_indices = @transform_6, window_bounds = array<i64: 2048, 512>}]} {
    %get3A = arith.constant 0 : index
    %get3A_0 = arith.constant 0 : index
    %get3A_1 = vector.load %arg4[%get3A, %get3A_0] : memref<2048x64xbf16, #tpu.memory_space<vmem>>, vector<2048x64xbf16>
    %get3A_2 = arith.constant 0 : index
    %get3A_3 = arith.constant 0 : index
    %get3A_4 = vector.load %arg5[%get3A_2, %get3A_3] : memref<512x64xbf16, #tpu.memory_space<vmem>>, vector<512x64xbf16>
    %dot_general3A = arith.constant dense<0.000000e+00> : vector<2048x512xf32>
    %dot_general3A_5 = tpu.matmul %get3A_1, %get3A_4, %dot_general3A {dimension_numbers = #tpu.dot_dimension_numbers<[1], [1], [0], [0], [0, 0, 1, 0], [], []>, transpose_lhs_hint = false} : vector<2048x64xbf16>, vector<512x64xbf16>, vector<2048x512xf32> -> vector<2048x512xf32>
    %get3A_6 = arith.constant 0 : index
    %get3A_7 = arith.constant 0 : index
    %get3A_8 = vector.load %arg6[%get3A_6, %get3A_7] : memref<1x512xf32, #tpu.memory_space<vmem>>, vector<1x512xf32>
    %add3A = vector.broadcast %get3A_8 : vector<1x512xf32> to vector<2048x512xf32>
    %add3A_9 = arith.addf %dot_general3A_5, %add3A : vector<2048x512xf32>
    %lt3A = arith.constant 3 : i32
    %lt3A_10 = arith.cmpi slt, %arg0, %lt3A : i32
    %convert_element_type3A = arith.extui %lt3A_10 : i1 to i32
    %cond3A = arith.constant 0 : i32
    %cond3A_11 = arith.cmpi ne, %convert_element_type3A, %cond3A : i32
    scf.if %cond3A_11 {
      %get3A_16 = arith.constant 0 : index
      %get3A_17 = arith.constant 0 : index
      %get3A_18 = vector.load %arg2[%get3A_16, %get3A_17] : memref<256x2048xi32, #tpu.memory_space<vmem>>, vector<256x2048xi32>
      %bitcast3A = tpu.bitcast %get3A_18 : vector<256x2048xi32> -> vector<512x2048xbf16>
      %get3A_19 = arith.constant 0 : index
      %get3A_20 = arith.constant 0 : index
      %get3A_21 = vector.load %arg1[%get3A_19, %get3A_20] : memref<2048x2048xbf16, #tpu.memory_space<vmem>>, vector<2048x2048xbf16>
      %dot_general3A_22 = arith.constant dense<0.000000e+00> : vector<2048x512xf32>
      %dot_general3A_23 = tpu.matmul %get3A_21, %bitcast3A, %dot_general3A_22 {dimension_numbers = #tpu.dot_dimension_numbers<[1], [1], [0], [0], [0, 0, 1, 0], [], []>, transpose_lhs_hint = false} : vector<2048x2048xbf16>, vector<512x2048xbf16>, vector<2048x512xf32> -> vector<2048x512xf32>
      %add3A_24 = arith.addf %add3A_9, %dot_general3A_23 : vector<2048x512xf32>
      %swap3A = arith.constant 0 : index
      %swap3A_25 = arith.constant 0 : index
      %swap3A_26 = vector.load %arg7[%swap3A, %swap3A_25] : memref<2048x512xf32, #tpu.memory_space<vmem>>, vector<2048x512xf32>
      tpu.vector_store %arg7[%swap3A, %swap3A_25], %add3A_24 {strides = array<i32>} : memref<2048x512xf32, #tpu.memory_space<vmem>>, vector<2048x512xf32>,
    } else {
    }
    %ge3A = arith.constant 3 : i32
    %ge3A_12 = arith.cmpi sge, %arg0, %ge3A : i32
    %convert_element_type3A_13 = arith.extui %ge3A_12 : i1 to i32
    %cond3A_14 = arith.constant 0 : i32
    %cond3A_15 = arith.cmpi ne, %convert_element_type3A_13, %cond3A_14 : i32
    scf.if %cond3A_15 {
      %get3A_16 = arith.constant 0 : index
      %get3A_17 = arith.constant 0 : index
      %get3A_18 = vector.load %arg1[%get3A_16, %get3A_17] : memref<2048x2048xbf16, #tpu.memory_space<vmem>>, vector<2048x2048xbf16>
      %get3A_19 = arith.constant 0 : index
      %get3A_20 = arith.constant 0 : index
      %get3A_21 = vector.load %arg3[%get3A_19, %get3A_20] : memref<512x2048xbf16, #tpu.memory_space<vmem>>, vector<512x2048xbf16>
      %dot_general3A_22 = arith.constant dense<0.000000e+00> : vector<2048x512xf32>
      %dot_general3A_23 = tpu.matmul %get3A_18, %get3A_21, %dot_general3A_22 {dimension_numbers = #tpu.dot_dimension_numbers<[1], [1], [0], [0], [0, 0, 1, 0], [], []>, transpose_lhs_hint = false} : vector<2048x2048xbf16>, vector<512x2048xbf16>, vector<2048x512xf32> -> vector<2048x512xf32>
      %add3A_24 = arith.addf %add3A_9, %dot_general3A_23 : vector<2048x512xf32>
      %swap3A = arith.constant 0 : index
      %swap3A_25 = arith.constant 0 : index
      %swap3A_26 = vector.load %arg7[%swap3A, %swap3A_25] : memref<2048x512xf32, #tpu.memory_space<vmem>>, vector<2048x512xf32>
      tpu.vector_store %arg7[%swap3A, %swap3A_25], %add3A_24 {strides = array<i32>} : memref<2048x512xf32, #tpu.memory_space<vmem>>, vector<2048x512xf32>,
    } else {
    }
    return
  }
  func.func @transform_0(%arg0: i32) -> (i32, i32) {
    %c0_i32 = arith.constant 0 : i32
    %c0_i32_0 = arith.constant 0 : i32
    %c0_i32_1 = arith.constant 0 : i32
    return %c0_i32, %c0_i32_0 : i32, i32
  }
  func.func @transform_1(%arg0: i32) -> (i32, i32) {
    %min3A = arith.constant 2 : i32
    %min3A_0 = arith.minsi %arg0, %min3A : i32
    %c0_i32 = arith.constant 0 : i32
    %c0_i32_1 = arith.constant 0 : i32
    return %min3A_0, %c0_i32 : i32, i32
  }
  func.func @transform_2(%arg0: i32) -> (i32, i32) {
    %sub3A = arith.constant 3 : i32
    %sub3A_0 = arith.subi %arg0, %sub3A : i32
    %jit3A = arith.constant 0 : i32
    %jit3A_1 = arith.constant 0 : i32
    %max3A = arith.maxsi %jit3A, %sub3A_0 : i32
    %min3A = arith.minsi %jit3A_1, %max3A : i32
    %c0_i32 = arith.constant 0 : i32
    %c0_i32_2 = arith.constant 0 : i32
    return %min3A, %c0_i32 : i32, i32
  }
  func.func @transform_3(%arg0: i32) -> (i32, i32) {
    %c0_i32 = arith.constant 0 : i32
    %c0_i32_0 = arith.constant 0 : i32
    %c0_i32_1 = arith.constant 0 : i32
    return %c0_i32, %c0_i32_0 : i32, i32
  }
  func.func @transform_4(%arg0: i32) -> (i32, i32) {
    %c0_i32 = arith.constant 0 : i32
    %c0_i32_0 = arith.constant 0 : i32
    return %arg0, %c0_i32 : i32, i32
  }
  func.func @transform_5(%arg0: i32) -> (i32, i32) {
    %c0_i32 = arith.constant 0 : i32
    %c0_i32_0 = arith.constant 0 : i32
    return %c0_i32, %arg0 : i32, i32
  }
  func.func @transform_6(%arg0: i32) -> (i32, i32) {
    %c0_i32 = arith.constant 0 : i32
    %c0_i32_0 = arith.constant 0 : i32
    return %c0_i32, %arg0 : i32, i32
  }
}

</mosaic_0001>

<sc_bundles>
// kernel: kernel.6.cloned.1.call-start
scs
__scs_entry_jumppad:
0x0: {  	(pc) =	sbr.rel $0x88, $3  }
0x1: {  	(tag) =	ssettag $0x0;
	lr =	simm.s32 $0x1  }
0x2: {  	[smem:$0x3F9C] =	sst lr;
	_ =	strace $0xD0000000  }
0x3: {  	_ = 	snop  }
0x4: {  	_ = 	snop  }
0x5: {  	_ = 	snop  }
0x6: {  	_ = 	snop  }
0x7: {  	_ = 	snop  }
__scs_overlays_trampoline_lowered:
0x8: {  	[smem:$0x3FAB] =	sst s0  }
0x9: {  	[smem:$0x3FAC] =	sst s1  }
0xa: {  	[smem:$0x3FAD] =	sst s2  }
0xb: {  	[smem:$0x3FAE] =	sst s3  }
0xc: {  	[smem:$0x3FAF] =	sst s4  }
0xd: {  	[smem:$0x3FB0] =	sst s5  }
0xe: {  	[smem:$0x3FB1] =	sst s6  }
0xf: {  	[smem:$0x3FB2] =	sst s7  }
0x10: {  	[smem:$0x3FB3] =	sst s8  }
0x11: {  	[smem:$0x3FB4] =	sst s9;
	s0 =	simm.s32 @!p0 $0x0  }
0x12: {  	s1 =	sld [smem:$0x3F9A];
	s0 =	simm.s32 @p0 $0x1  }
0x13: {  	[smem:$0x3FB5] =	sst s0;
	s0 =	simm.s32 @!p1 $0x0  }
0x14: {  	s2 =	sld [smem:$0x3F99];
	s0 =	simm.s32 @p1 $0x1  }
0x15: {  	[smem:$0x3FB6] =	sst s0;
	s0 =	simm.s32 @!p2 $0x0  }
0x16: {  	s3 =	sld [smem:$0x3FDB];
	s0 =	simm.s32 @p2 $0x1  }
0x17: {  	s4 =	simm.s32 $0x1BF5;
	[smem:$0x3FB8] =	sst s0  }
0x18: {  	s0 =	sld [smem:$0x3F9B];
	_ =	swait.ge [sflag:s4], $0x0  }
0x19: {  	s7 =	sld [smem:$0x3F9C]  }
0x1a: {  	s8 =	sadd.s32 $0xFFFFE003, lr  }
0x1b: {  	s9 =	sadd.s32 $0xFFFFFEF7, lr;
	s5 =	simm.s32 $0xFFFFFFFF;
	p2 =	slt.u32 s8, $0xFFFFF086  }
0x1c: {  	p1 =	slt.u32 s9, $0xF7A;
	s5 =	simm.s32 @!p2 $0x0  }
0x1d: {  	s5 =	simm.s32 @p1 $0x1;
	p0 =	seq.s32 s7, s2  }
0x1e: {  	s7 =	smul.u32 @!p0 $0xF7A, s2;
	p2 =	seq.s32 @!p0 s5, $0x0  }
0x1f: {  	s9 =	smul.u32 $0xF7A, s1;
	s8 =	simm.s32 @!p0 $0x1BF5;
	p2 =	por !p2, p0  }
0x20: {  	[sflag:s8] =	ssyncset.s32 @!p0 $0xFFFFF086;
	s6 =	sadd.s32 @!p0 s3, s7;
	s7 =	simm.s32 @!p0 $0x108  }
0x21: {  	s3 =	sadd.s32 s3, s9;
	s6 =	sadd.s32 @!p0 $0x88, s6;
	s7 =	simm.s32 @p2 $0x1082  }
0x22: {  	[simem:s7], [sflag:s8] =	dma.local @!p0 [hbm:s6], $0xF7A  }
0x23: {  	s9 =	sor.u32 $0xD0000000, s2;
	s6 =	simm.s32 $0x108;
	_ =	swait.ge @!p0 [sflag:s8], $0x0  }
0x24: {  	s3 =	sadd.s32 $0x88, s3;
	s6 =	simm.s32 @!p1 $0x1082;
	[sflag:s4] =	ssyncset.s32 $0xFFFFF086  }
0x25: {  	[simem:s6], [sflag:s4] =	dma.local [hbm:s3], $0xF7A  }
0x26: {  	[smem:$0x3F9C] =	sst s1;
	(tag) =	ssettag s2;
	_ =	strace s9  }
0x27: {  	s1 =	sld [smem:$0x3FAC]  }
0x28: {  	s2 =	sld [smem:$0x3FAD]  }
0x29: {  	s4 =	sld [smem:$0x3FAF]  }
0x2a: {  	p0 =	seq.s32 s5, $0x0;
	s5 =	sld [smem:$0x3FB0]  }
0x2b: {  	s6 =	sld [smem:$0x3FB1]  }
0x2c: {  	s7 =	sld [smem:$0x3FB2]  }
0x2d: {  	s3 =	simm.s32 $0x108;
	s8 =	sld [smem:$0x3FB3]  }
0x2e: {  	s3 =	simm.s32 @!p0 $0x1082;
	s9 =	sld [smem:$0x3FB4]  }
0x2f: {  	lr =	sadd.s32 s0, s3;
	s0 =	sld [smem:$0x3FAB]  }
0x30: {  	s3 =	sld [smem:$0x3FAE]  }
0x31: {  	[smem:$0x3FB7] =	sst s10  }
0x32: {  	s10 =	sld [smem:$0x3FB5];
	_ =	sdelay $0x3  }
0x33: {  	p0 =	seq.s32 s10, $0x1;
	s10 =	sld [smem:$0x3FB7];
	_ =	sdelay $0x3  }
0x34: {  	[smem:$0x3FB7] =	sst s10  }
0x35: {  	s10 =	sld [smem:$0x3FB6];
	_ =	sdelay $0x3  }
0x36: {  	p1 =	seq.s32 s10, $0x1;
	s10 =	sld [smem:$0x3FB7];
	_ =	sdelay $0x3  }
0x37: {  	[smem:$0x3FB7] =	sst s10  }
0x38: {  	s10 =	sld [smem:$0x3FB8]  }
0x39: {  	_ = 	snop;
	(pc) =	sbr.ind lr, $3  }
0x3a: {  	_ = 	snop  }
0x3b: {  	_ = 	snop  }
0x3c: {  	p2 =	seq.s32 s10, $0x1;
	s10 =	sld [smem:$0x3FB7]  }
0x3d: {  	_ =	shalt  }
0x3e: {  	_ =	shalt  }
0x3f: {  	_ =	shalt  }
0x40: {  	_ =	shalt  }
0x41: {  	_ =	shalt  }
0x42: {  	_ =	shalt  }
0x43: {  	_ =	shalt  }
0x44: {  	_ =	shalt  }
0x45: {  	_ =	shalt  }
0x46: {  	_ =	shalt  }
0x47: {  	_ =	shalt  }
0x48: {  	_ =	shalt  }
0x49: {  	_ =	shalt  }
0x4a: {  	_ =	shalt  }
0x4b: {  	_ =	shalt  }
0x4c: {  	_ =	shalt  }
0x4d: {  	_ =	shalt  }
0x4e: {  	_ =	shalt  }
0x4f: {  	_ =	shalt  }
0x50: {  	_ =	shalt  }
0x51: {  	_ =	shalt  }
0x52: {  	_ =	shalt  }
0x53: {  	_ =	shalt  }
0x54: {  	_ =	shalt  }
0x55: {  	_ =	shalt  }
0x56: {  	_ =	shalt  }
0x57: {  	_ =	shalt  }
0x58: {  	_ =	shalt  }
0x59: {  	_ =	shalt  }
0x5a: {  	_ =	shalt  }
0x5b: {  	_ =	shalt  }
0x5c: {  	_ =	shalt  }
0x5d: {  	_ =	shalt  }
0x5e: {  	_ =	shalt  }
0x5f: {  	_ =	shalt  }
0x60: {  	_ =	shalt  }
0x61: {  	_ =	shalt  }
0x62: {  	_ =	shalt  }
0x63: {  	_ =	shalt  }
0x64: {  	_ =	shalt  }
0x65: {  	_ =	shalt  }
0x66: {  	_ =	shalt  }
0x67: {  	_ =	shalt  }
0x68: {  	_ =	shalt  }
0x69: {  	_ =	shalt  }
0x6a: {  	_ =	shalt  }
0x6b: {  	_ =	shalt  }
0x6c: {  	_ =	shalt  }
0x6d: {  	_ =	shalt  }
0x6e: {  	_ =	shalt  }
0x6f: {  	_ =	shalt  }
0x70: {  	_ =	shalt  }
0x71: {  	_ =	shalt  }
0x72: {  	_ =	shalt  }
0x73: {  	_ =	shalt  }
0x74: {  	_ =	shalt  }
0x75: {  	_ =	shalt  }
0x76: {  	_ =	shalt  }
0x77: {  	_ =	shalt  }
0x78: {  	_ =	shalt  }
0x79: {  	_ =	shalt  }
0x7a: {  	_ =	shalt  }
0x7b: {  	_ =	shalt  }
0x7c: {  	_ =	shalt  }
0x7d: {  	_ =	shalt  }
0x7e: {  	_ =	shalt  }
0x7f: {  	_ =	shalt  }
0x80: {  	_ =	shalt  }
0x81: {  	_ =	shalt  }
0x82: {  	_ =	shalt  }
0x83: {  	_ =	shalt  }
0x84: {  	_ =	shalt  }
0x85: {  	_ =	shalt  }
0x86: {  	_ =	shalt  }
0x87: {  	_ =	shalt  }
.Lfunc_end0:
.L_simem_size_0:
called_computation_lowered:
.L_overlay_start_0:
0x88: {  	s2 =	sld [smem:$0x3FD9]  }
0x89: {  	s3 =	sld [smem:$0x3FFE];
	_ =	sdelay $0x1  }
0x8a: {  	s1 =	srdreg.scid  }
0x8b: {  	s0 =	sand.u32 $0x1, s1  }
0x8c: {  	s18 =	sshll.u32 s0, $0xA;
	s2 =	sadd.s32 s3, s2  }
0x8d: {  	s2 =	sadd.s32 s2, s18  }
0x8e: {  	[smem:$0x3FC3] =	sst s2  }
0x8f: {  	_ = 	snop  }
0x90: {  	s2 =	sld [smem:$0x3FC8]  }
0x91: {  	s19 =	sld [smem:$0x3FD0];
	(tm) =	ssettm $0x1  }
0x92: {  	s4 =	sld [smem:$0x3FFB];
	_ =	sdelay $0x3  }
0x93: {  	_ =	strace s4  }
0x94: {  	s4 =	sld [smem:$0x3FFC];
	_ =	sdelay $0x3  }
0x95: {  	_ =	strace s4  }
0x96: {  	s4 =	sld [smem:$0x3FFD];
	_ =	sdelay $0x3  }
0x97: {  	_ =	strace s4  }
0x98: {  	_ =	strace $0x8FFFFFFF  }
0x99: {  	s20 =	sld [smem:$0x3FDB];
	_ =	sdelay $0x1  }
0x9a: {  	s5 =	simm.s32 $_scs_section_size  }
0x9b: {  	s6 =	simm.s32 $_size__tile_overlayer_lowered;
	s7 =	simm.s32 $_tile_overlayer_lowered  }
0x9c: {  	s23 =	simm.s32 $0x1BFF;
	s22 =	sshll.u32 s7, $0x1;
	s4 =	sadd.s32 s5, s20  }
0x9d: {  	s8 =	simm.s32 $0x0;
	s21 =	sshll.u32 s6, $0x1;
	s6 =	sadd.s32 s22, s4  }
0x9e: {  	[timem:s8], [sflag:s23] =	dma.local [hbm:s6], s21  }
0x9f: {  	_ =	swait.ge [sflag:s23], s21  }
0xa0: {  	s5 =	ssub.s32 $0x0, s21;
	[sflag:s23] =	ssyncset.done $0x0  }
0xa1: {  	[sflag:s23] =	ssyncadd.s32 s5;
	_ =	sdelay $0x1  }
0xa2: {  	s24 =	simm.s32 $0x1B8B  }
0xa3: {  	_ =	swait.ge [sflag:s24], $0x1  }
0xa4: {  	[sflag:s24] =	ssyncset.done $0x0  }
0xa5: {  	s25 =	simm.s32 $0x1B8E;
	[sflag:s24] =	ssyncadd.s32 $0xFFFFFFFF  }
0xa6: {  	s26 =	simm.s32 $execute0_lowered;
	[smem:$0x3FD2] =	sst s25  }
0xa7: {  	s5 =	sshll.u32 s26, $0x1;
	_ =	strace $0x80000046;
	[dreg:$0x1] =	wrdreg $0xFFFFFFFF  }
0xa8: {  	s28 =	simm.s32 $_size_execute0_lowered;
	s4 =	sadd.s32 s4, s5;
	[dreg:$0x0] =	wrdreg $0x0  }
0xa9: {  	s5 =	sshll.u32 s28, $0x1;
	[dreg:$0x2] =	wrdreg s4  }
0xaa: {  	[dreg:$0x3] =	wrdreg s5  }
0xab: {  	[dreg:$0x4] =	wrdreg $0xC0  }
0xac: {  	_ =	task [dreg:s8], $0x5FFFF  }
0xad: {  	[dreg:$0x1] =	wrdreg $0xFFFFFFFF  }
0xae: {  	[dreg:$0x0] =	wrdreg $0x60  }
0xaf: {  	[dreg:$0x2] =	wrdreg s2  }
0xb0: {  	[dreg:$0x3] =	wrdreg s19  }
0xb1: {  	[dreg:$0x4] =	wrdreg $0x9  }
0xb2: {  	_ =	task.clear_ibuf [dreg:s8], $0x5FFFF;
	_ =	strace $0x90000046  }
0xb3: {  	s29 =	simm.s32 $0x9;
	_ =	strace $0x80000048  }
0xb4: {  	_ =	swait.ge [sflag:s29], $0x1  }
0xb5: {  	[sflag:s29] =	ssyncadd.s32 $0xFFFFFFFF  }
0xb6: {  	_ =	strace $0x90000048  }
0xb7: {  	_ =	sfence  }
0xb8: {  	s30 =	sld [smem:$0x0];
	_ =	sdelay $0x2  }
0xb9: {  	s31 =	sshll.u32 s1, $0xD;
	s1 =	sshrl.u32 s1, $0x2  }
0xba: {  	s3 =	sand.u32 $0x4000, s31;
	s1 =	sadd.s32 s1, s30  }
0xbb: {  	s0 =	sor.u32 s3, s0;
	s1 =	sshll.u32 s1, $0x11  }
0xbc: {  	s0 =	sor.u32 s1, s0  }
0xbd: {  	s0 =	sadd.s32 $0x8F2B, s0  }
0xbe: {  	[sflag:s0] =	ssyncadd.remote.s32 $0x1  }
0xbf: {  	_ =	sfence.sel $0xFFFF  }
0xc0: {  	[dreg:$0x0] =	wrdreg $0xFFFFFFFF;
	(pc) =	sbr.abs _section_cstart, $3  }
0xc1: {  	[dreg:$0x1] =	wrdreg $0xFFFFFFFF  }
0xc2: {  	_ =	task.clear_ibuf [dreg:s8], $0x2FFFF;
	_ =	strace $0x9FFFFFFF  }
0xc3: {  	(tm) =	ssettm $0x7FFFFFFF  }
tec
execute0_lowered:
.L_overlay_start_1:
0x0: {  	(tag) =	ssettag $0x1  }
0x1: {  	v0 =	vimm.s32 $0x76543210;
	v1 =	vimm.s32 $0xBA98FEDC;
	v2 =	vimm.s32 $0xFEDCBA98  }
0x2: {  	v3 =	vimm.s32 $0x32107654;
	v4 =	vimm.s32 $0xDCFE98BA;
	v5 =	vimm.s32 $0x54761032  }
0x3: {  	v6 =	vimm.s32 $0xEFCDAB89;
	v7 =	vimm.s32 $0x67452301;
	vm0 =	vcmask $0x300  }
0x4: {  	vm1 =	vcmask $0x704;
	vm2 =	vcmask $0xB08;
	vm3 =	vcmask $0xF0C  }
0x5: {  	vm15 =	vcmask $0x1310;
	vm6 =	vcmask $0x1714;
	vm7 =	vcmask $0x1B18  }
0x6: {  	vm8 =	vcmask $0x1F1C;
	v4 =	vunpack.c.l.s4.s8 v4;
	v5 =	vunpack.c.l.s4.s8 v5  }
0x7: {  	vm9 =	vcmask $0x2320;
	vm10 =	vcmask $0x2724;
	v2 =	vunpack.c.l.s4.s8 v2  }
0x8: {  	v0 =	vunpack.c.l.s4.s8 v0;
	v4 =	vunpack.c.0.s8.s32 v4;
	v5 =	vunpack.c.0.s8.s32 v5  }
0x9: {  	vm11 =	vcmask $0x2B28;
	vm12 =	vcmask $0x2F2C;
	v2 =	vunpack.c.0.s8.s32 v2  }
0xa: {  	vm13 =	vcmask $0x3330;
	v0 =	vunpack.c.0.s8.s32 v0;
	v4 =	vcombine.low v5, v4  }
0xb: {  	vm14 =	vcmask $0x3734;
	v8 =	vimm.s32 $0x0;
	v2 =	vand.u32 $0xF, v2  }
0xc: {  	v0 =	vcombine.low v2, v0;
	v2 =	vand.u32 $0xF, v4;
	v4 =	vimm.f32 $8.614783280e-01  }
0xd: {  	v1 =	vunpack.c.l.s4.s8 v1;
	v5 =	vimm.f32 $1.000000000e+00;
	v4 =	vsel vm0, $0x0, v4  }
0xe: {  	v3 =	vunpack.c.l.s4.s8 v3;
	v5 =	vsel vm0, $0xBF800000, v5;
	v4 =	vsel vm1, $0x3D22FB00, v4  }
0xf: {  	v6 =	vunpack.c.l.s4.s8 v6;
	v5 =	vsel vm1, $0xBF3239B4, v5;
	v4 =	vsel vm2, $0xBEADEA74, v4  }
0x10: {  	v1 =	vunpack.c.0.s8.s32 v1;
	v5 =	vsel vm2, $0xBF066B2F, v5;
	v4 =	vsel vm3, $0x3EC753F8, v4  }
0x11: {  	v3 =	vunpack.c.0.s8.s32 v3;
	v5 =	vsel vm3, $0xBECA329E, v5;
	v4 =	vsel vm15, $0xBF1C5272, v4  }
0x12: {  	v7 =	vunpack.c.l.s4.s8 v7;
	v5 =	vsel vm15, $0xBE91A249, v5;
	v4 =	vsel vm6, $0xBE0D38B8, v4  }
0x13: {  	v1 =	vcombine.low v3, v1;
	v5 =	vsel vm6, $0xBE3D353E, v5;
	v4 =	vsel vm7, $0x3E5067DE, v4  }
0x14: {  	v3 =	vunpack.c.0.s8.s32 v6;
	v5 =	vsel vm7, $0xBDBA7864, v5;
	v4 =	vsel vm8, $0x3F248DAC, v4  }
0x15: {  	s0 =	rddreg [dreg:$0x0];
	v6 =	vunpack.c.0.s8.s32 v7;
	v5 =	vsel vm8, $0x0, v5;
	v4 =	vsel vm9, $0xBF591CDA, v4  }
0x16: {  	s2 =	rddreg [dreg:$0x1];
	s4 =	simm.s32 $0x0;
	v1 =	vand.u32 $0xF, v1;
	v5 =	vsel vm9, $0x3DA2FB00, v5;
	v4 =	vsel vm10, $0xBEEB847E, v4  }
0x17: {  	s1 =	srdreg.scid;
	[smem:$0x7FF] =	sst s4;
	v3 =	vcombine.low v6, v3;
	v5 =	vsel vm10, $0x3E24CAE2, v5;
	v4 =	vsel vm11, $0xBE703CE8, v4  }
0x18: {  	s5 =	sand.u32 $0x1, s1;
	s1 =	rddreg [dreg:$0x2];
	_ =	strace $0x80000047;
	v6 =	vimm.s32 $0x1;
	v5 =	vsel vm11, $0x3E7C04DB, v5;
	v4 =	vsel vm12, $0xBD3A7864, v4  }
0x19: {  	s3 =	stileid.u32;
	s6 =	ssub.s32 $0x2, s5;
	v3 =	vand.u32 $0xF, v3;
	v5 =	vsel vm12, $0x3EAD033A, v5;
	v4 =	vsel vm13, $0x3DF64862, v4  }
0x1a: {  	s9 =	simm.s32 $0x0;
	s8 =	sshll.u32 s3, $0x1;
	s7 =	sshrl.u32 s6, $0x1;
	vm15 =	vcmask $0x3B38;
	v7 =	vsel vm13, $0x3EE1A4B7, v5;
	v4 =	vsel vm14, $0x3E9582D4, v4  }
0x1b: {  	s5 =	sor.u32 s5, s8;
	s8 =	simm.s32 $0x8000;
	s6 =	ssub.s32 s6, s7;
	v9 =	vsel vm14, $0x3F1007A8, v7;
	v7 =	vimm.s32 $0x4;
	v4 =	vsel vm15, $0x3F006D02, v4  }
0x1c: {  	s5 =	smul.u32 $0x30, s5;
	s7 =	simm.s32 $0x1;
	s6 =	smax.u32 s6, $0x1;
	v9 =	vsel vm15, $0x3F3913B1, v9;
	v5 =	vperm.xlane v4, v6;
	v6 =	vimm.s32 $0x2  }
.LBB2_1:
0x1d: {  	s10 =	simm.s32 $0x0  }
.LBB2_2:
0x1e: {  	s11 =	sshll.u32 s10, $0x4  }
0x1f: {  	s11 =	sadd.s32 s5, s11  }
0x20: {  	s12 =	sshll.u32 s11, $0x8  }
0x21: {  	s16 =	simm.s32 $0x0;
	s25 =	simm.s32 $0x0;
	s12 =	sadd.s32 s0, s12  }
0x22: {  	[tilespmem:s16], [sflag:$0x1] =	stream.linear.gather [hbm4b:s12+s16], $0x8000, $0x38;
	[tilespmem:$0xC000] =	vst v63  }
0x23: {  	s13 =	simm.s32 $0x0;
	s17 =	sand.u32 $0x3C00, s16;
	s12 =	sand.u32 $0x4000, s25  }
0x24: {  	s13 =	sand.u32 $0x300, s13;
	s12 =	sor.u32 s17, s12  }
0x25: {  	_ =	swait.ge [sflag:s7], $0x8000;
	s18 =	sor.u32 s13, s12  }
0x26: {  	s14 =	sand.u32 $0x40, s16;
	[sflag:s7] =	ssyncset.done $0x0;
	s19 =	sor.u32 $0x80, s18  }
0x27: {  	s12 =	sor.u32 $0x30, s14;
	[sflag:s7] =	ssyncadd.s32 $0xFFFF8000;
	s15 =	sor.u32 s14, s19  }
0x28: {  	s13 =	sor.u32 $0x20, s14;
	s20 =	sor.u32 s12, s19;
	v12 =	vld [tilespmem:s15+$0x0]  }
0x29: {  	s21 =	sor.u32 s13, s19;
	s15 =	sor.u32 $0x10, s14;
	v13 =	vld [tilespmem:s20+$0x0]  }
0x2a: {  	v15 =	vld [tilespmem:s21+$0x0];
	s19 =	sor.u32 s15, s19  }
0x2b: {  	v14 =	vld [tilespmem:s19+$0x0]  }
0x2c: {  	s28 =	sor.u32 s12, s18  }
0x2d: {  	s29 =	sor.u32 s14, s18;
	v16 =	vld [tilespmem:s28+$0x0]  }
0x2e: {  	v20 =	vld [tilespmem:s29+$0x0];
	s26 =	sor.u32 s15, s18  }
0x2f: {  	s18 =	sor.u32 s13, s18;
	v19 =	vld [tilespmem:s26+$0x0];
	v10 =	vand.u32 $0x7FFFFFFF, v12  }
0x30: {  	v21 =	vld [tilespmem:s18+$0x0];
	v11 =	vand.u32 $0x7FFFFFFF, v13;
	v17 =	vand.u32 $0x7FFFFFFF, v15;
	v18 =	vand.u32 $0x7FFFFFFF, v14  }
0x31: {  	v11 =	vmax.f32 v17, v11;
	v10 =	vmax.f32 v10, v18  }
0x32: {  	v10 =	vmax.f32 v10, v11  }
0x33: {  	v11 =	vperm.xlane v10, v0  }
0x34: {  	v23 =	vand.u32 $0x7FFFFFFF, v16;
	v17 =	vand.u32 $0x7FFFFFFF, v20  }
0x35: {  	v22 =	vand.u32 $0x7FFFFFFF, v21;
	v18 =	vand.u32 $0x7FFFFFFF, v19;
	v10 =	vmax.f32 v10, v11  }
0x36: {  	v11 =	vmax.f32 v17, v18;
	v17 =	vmax.f32 v22, v23;
	v18 =	vperm.xlane v10, v1  }
0x37: {  	v11 =	vmax.f32 v11, v17  }
0x38: {  	v17 =	vperm.xlane v11, v0;
	v10 =	vmax.f32 v10, v18  }
0x39: {  	v18 =	vperm.xlane v10, v2  }
0x3a: {  	v11 =	vmax.f32 v11, v17  }
0x3b: {  	v17 =	vperm.xlane v11, v1;
	v10 =	vmax.f32 v10, v18  }
0x3c: {  	v18 =	vperm.xlane v10, v3  }
0x3d: {  	v11 =	vmax.f32 v11, v17  }
0x3e: {  	v17 =	vperm.xlane v11, v2;
	v10 =	vmax.f32 v10, v18  }
0x3f: {  	(erf) = vrcp.f32 v10  }
0x40: {  	v11 =	vmax.f32 v11, v17  }
0x41: {  	v17 =	vperm.xlane v11, v3;
	_ =	sdelay $0x1  }
0x42: {  	v11 =	vmax.f32 v11, v17  }
0x43: {  	(erf) = vrcp.f32 v11;
	_ =	sdelay $0x3  }
0x44: {  	v17 =	vpop (erf)  }
0x45: {  	v22 =	vmul.f32 v17, v12;
	v14 =	vmul.f32 v17, v14;
	_ =	sdelay $0x1  }
0x46: {  	v12 =	vmul.f32 v17, v15;
	vm0 =	vgt.f32 v22, v5;
	vm1 =	vgt.f32 v14, v5  }
0x47: {  	v13 =	vmul.f32 v17, v13;
	v15 =	vsel vm0, $0x3, v6;
	v17 =	vsel vm1, $0x3, v6  }
0x48: {  	v23 =	vsel vm1, $0x6, v7;
	v24 =	vpop (erf);
	vm1 =	vgt.f32 v12, v5;
	v15 =	vperm.xlane v4, v15  }
0x49: {  	v17 =	vperm.xlane v4, v17;
	v18 =	vmul.f32 v24, v16;
	v16 =	vsel vm0, $0x6, v7  }
0x4a: {  	vm0 =	vgt.f32 v13, v5;
	v27 =	vsel vm1, $0x6, v7;
	vm2 =	vgt.f32 v22, v15  }
0x4b: {  	vm3 =	vgt.f32 v14, v17;
	v17 =	vmul.f32 v24, v21;
	v15 =	vsel vm2, $0x1, v8  }
0x4c: {  	v32 =	vsel vm0, $0x6, v7;
	v25 =	vsel vm3, $0x1, v8;
	v15 =	vor.u32 v15, v16  }
0x4d: {  	v21 =	vor.u32 v25, v23;
	v23 =	vsel vm1, $0x3, v6;
	vm2 =	vgt.f32 v17, v5  }
0x4e: {  	v25 =	vperm.xlane v4, v15;
	v23 =	vperm.xlane v4, v23;
	v26 =	vshll.u32 v15, $0x1  }
0x4f: {  	v15 =	vmul.f32 v24, v19;
	v19 =	vmul.f32 v24, v20;
	v24 =	vsel vm2, $0x3, v6  }
0x50: {  	v16 =	vshll.u32 v21, $0x1;
	v21 =	vperm.xlane v4, v21;
	v24 =	vperm.xlane v4, v24  }
0x51: {  	vm1 =	vgt.f32 v22, v25;
	vm3 =	vgt.f32 v12, v23;
	v23 =	vsel vm0, $0x3, v6  }
0x52: {  	vm0 =	vgt.f32 v19, v5;
	vm4 =	vgt.f32 v15, v5;
	v25 =	vsel vm2, $0x6, v7  }
0x53: {  	v20 =	vsel vm1, $0x1, v8;
	v23 =	vperm.xlane v4, v23;
	v29 =	vsel vm0, $0x3, v6  }
0x54: {  	v28 =	vsel vm3, $0x1, v8;
	v20 =	vor.u32 v20, v26;
	v29 =	vperm.xlane v4, v29  }
0x55: {  	v27 =	vor.u32 v28, v27;
	v26 =	vperm.xlane v4, v20;
	vm1 =	vgt.f32 v13, v23  }
0x56: {  	v20 =	vshll.u32 v20, $0x1;
	v23 =	vsel vm4, $0x3, v6;
	v33 =	vsel vm1, $0x1, v8  }
0x57: {  	vm1 =	vgt.f32 v18, v5;
	vm3 =	vgt.f32 v19, v29;
	vm2 =	vgt.f32 v22, v26  }
0x58: {  	v26 =	vsel vm0, $0x6, v7;
	v22 =	vperm.xlane v4, v23;
	v30 =	vsel vm1, $0x6, v7  }
0x59: {  	vm0 =	vgt.f32 v14, v21;
	v29 =	vsel vm3, $0x1, v8;
	v23 =	vsel vm2, $0x1, v8  }
0x5a: {  	vm2 =	vgt.f32 v17, v24;
	v24 =	vsel vm1, $0x3, v6;
	v29 =	vor.u32 v29, v26  }
0x5b: {  	v21 =	vor.u32 v23, v20;
	v23 =	vperm.xlane v4, v27;
	v28 =	vperm.xlane v4, v24  }
0x5c: {  	v20 =	vshll.u32 v27, $0x1;
	v27 =	vsel vm2, $0x1, v8;
	v21 =	vperm.xlane v9, v21  }
0x5d: {  	v24 =	vsel vm4, $0x6, v7;
	v27 =	vor.u32 v27, v25;
	vm2 =	vgt.f32 v18, v28  }
0x5e: {  	s30 =	simm.s32 $0x0;
	vm1 =	vgt.f32 v12, v23;
	v28 =	vsel vm2, $0x1, v8;
	v23 =	vmul.f32 v21, v10  }
0x5f: {  	s31 =	sand.u32 $0x3FFFFF80, s30;
	v25 =	vshll.u32 v29, $0x1;
	v26 =	vperm.xlane v4, v27;
	v28 =	vor.u32 v28, v30  }
0x60: {  	s17 =	sadd.s32 s31, s17;
	s18 =	simm.s32 $0x1;
	s19 =	simm.s32 $0x0;
	v21 =	vor.u32 v33, v32;
	v30 =	vperm.xlane v4, v28;
	v31 =	vshrl.u32 v23, $0x10  }
.LBB2_3:
0x61: {  	p0 =	sne.s32 s18, $0xFF;
	v29 =	vperm.xlane v4, v29;
	vm2 =	vgt.f32 v15, v22;
	v22 =	vand.u32 $0x1, v31;
	s16 =	sadd.s32 $0x40, s16;
	s19 =	sadd.s32 $0x200, s19  }
0x62: {  	v27 =	vshll.u32 v27, $0x1;
	s20 =	smov.u32 s18;
	s18 =	sadd.s32 $0x1, s18;
	v31 =	vsel vm2, $0x1, v8;
	vm2 =	vgt.f32 v18, v30  }
0x63: {  	v28 =	vshll.u32 v28, $0x1;
	vm3 =	vgt.f32 v19, v29;
	v29 =	vsel vm2, $0x1, v8  }
0x64: {  	v24 =	vor.u32 v31, v24;
	v30 =	vsel vm3, $0x1, v8;
	v28 =	vor.u32 v29, v28  }
0x65: {  	vm2 =	vgt.f32 v17, v26;
	v29 =	vshll.u32 v24, $0x1;
	v26 =	vperm.xlane v4, v28  }
0x66: {  	v22 =	vadd.s32 v22, v23;
	v25 =	vor.u32 v30, v25;
	v30 =	vsel vm2, $0x1, v8  }
0x67: {  	v23 =	vperm.xlane v4, v25;
	vm2 =	vgt.f32 v18, v26;
	v18 =	vadd.s32 $0x7FFF, v22  }
0x68: {  	v22 =	vshll.u32 v25, $0x1;
	v25 =	vsel vm2, $0x1, v8;
	v18 =	vand.u32 $0xFFFF0000, v18  }
0x69: {  	v24 =	vperm.xlane v4, v24;
	v26 =	vshll.u32 v28, $0x1;
	v28 =	vperm.xlane v4, v21  }
0x6a: {  	vm2 =	vgt.f32 v19, v23;
	v19 =	vor.u32 v30, v27;
	v23 =	vor.u32 v25, v26  }
0x6b: {  	v27 =	vsel vm1, $0x1, v8;
	v25 =	vsel vm2, $0x1, v8;
	v26 =	vshll.u32 v19, $0x1  }
0x6c: {  	v19 =	vperm.xlane v4, v19;
	v22 =	vor.u32 v25, v22;
	v25 =	vsel vm0, $0x1, v8  }
0x6d: {  	vm0 =	vgt.f32 v15, v24;
	v23 =	vperm.xlane v9, v23;
	v22 =	vperm.xlane v9, v22  }
0x6e: {  	vm1 =	vgt.f32 v13, v28;
	v24 =	vsel vm0, $0x1, v8;
	vm0 =	vgt.f32 v17, v19  }
0x6f: {  	v17 =	vor.u32 v24, v29;
	v19 =	vsel vm0, $0x1, v8;
	v23 =	vmul.f32 v23, v11  }
0x70: {  	v21 =	vshll.u32 v21, $0x1;
	v24 =	vperm.xlane v4, v17;
	v19 =	vor.u32 v19, v26  }
0x71: {  	v16 =	vor.u32 v25, v16;
	v25 =	vsel vm1, $0x1, v8;
	v19 =	vperm.xlane v9, v19  }
0x72: {  	v21 =	vor.u32 v25, v21;
	v17 =	vshll.u32 v17, $0x1;
	v26 =	vshll.u32 v16, $0x1  }
0x73: {  	v16 =	vperm.xlane v4, v16;
	vm0 =	vgt.f32 v15, v24;
	v15 =	vmul.f32 v19, v11  }
0x74: {  	v20 =	vor.u32 v27, v20;
	v24 =	vperm.xlane v4, v21;
	v19 =	vsel vm0, $0x1, v8  }
0x75: {  	vm0 =	vgt.f32 v14, v16;
	v14 =	vperm.xlane v4, v20;
	v25 =	vshrl.u32 v15, $0x10  }
0x76: {  	v21 =	vshll.u32 v21, $0x1;
	v16 =	vand.u32 $0x1, v25;
	v25 =	vsel vm0, $0x1, v8  }
0x77: {  	vm1 =	vgt.f32 v13, v24;
	vm0 =	vgt.f32 v12, v14;
	v15 =	vadd.s32 v16, v15  }
0x78: {  	v14 =	vsel vm1, $0x1, v8;
	v13 =	vor.u32 v25, v26;
	v12 =	vadd.s32 $0x7FFF, v15  }
0x79: {  	v13 =	vperm.xlane v9, v13;
	v15 =	vshll.u32 v20, $0x1;
	v12 =	vshrl.u32 v12, $0x10  }
0x7a: {  	v17 =	vor.u32 v19, v17;
	v16 =	vmul.f32 v22, v11;
	v14 =	vor.u32 v14, v21  }
0x7b: {  	v19 =	vshrl.u32 v23, $0x10;
	v20 =	vsel vm0, $0x1, v8;
	v14 =	vperm.xlane v9, v14  }
0x7c: {  	v17 =	vperm.xlane v9, v17;
	v19 =	vand.u32 $0x1, v19;
	v13 =	vmul.f32 v13, v10  }
0x7d: {  	v19 =	vadd.s32 v19, v23;
	v21 =	vshrl.u32 v16, $0x10;
	v15 =	vor.u32 v20, v15  }
0x7e: {  	v11 =	vmul.f32 v17, v11;
	v14 =	vmul.f32 v14, v10;
	v17 =	vshrl.u32 v13, $0x10  }
0x7f: {  	v15 =	vperm.xlane v9, v15;
	v17 =	vand.u32 $0x1, v17  }
0x80: {  	v20 =	vand.u32 $0x1, v21;
	v21 =	vshrl.u32 v11, $0x10;
	v22 =	vshrl.u32 v14, $0x10  }
0x81: {  	v16 =	vadd.s32 v20, v16;
	v10 =	vmul.f32 v15, v10;
	v15 =	vand.u32 $0x1, v22  }
0x82: {  	v19 =	vadd.s32 $0x7FFF, v19;
	v16 =	vadd.s32 $0x7FFF, v16;
	v14 =	vadd.s32 v15, v14  }
0x83: {  	v19 =	vshrl.u32 v19, $0x10;
	v15 =	vand.u32 $0x1, v21;
	v14 =	vadd.s32 $0x7FFF, v14  }
0x84: {  	s17 =	sadd.s32 $0x8000, s17;
	v16 =	vshrl.u32 v16, $0x10;
	v11 =	vadd.s32 v15, v11;
	v14 =	vand.u32 $0xFFFF0000, v14  }
0x85: {  	s14 =	sor.u32 s14, s17;
	s15 =	sor.u32 s15, s17;
	s21 =	sor.u32 s13, s17;
	v13 =	vadd.s32 v17, v13;
	v15 =	vshrl.u32 v10, $0x10;
	v14 =	vor.u32 v19, v14  }
0x86: {  	s17 =	sor.u32 s12, s17;
	v16 =	vor.u32 v16, v18;
	v13 =	vadd.s32 $0x7FFF, v13;
	v15 =	vand.u32 $0x1, v15  }
0x87: {  	v10 =	vadd.s32 v15, v10;
	[tilespmem:s14+$0x0] =	vst v16  }
0x88: {  	v11 =	vadd.s32 $0x7FFF, v11;
	v10 =	vadd.s32 $0x7FFF, v10  }
0x89: {  	s12 =	sshll.u32 s20, $0x3;
	s13 =	sshll.u32 s20, $0x7;
	v13 =	vand.u32 $0xFFFF0000, v13;
	v11 =	vshrl.u32 v11, $0x10;
	v10 =	vand.u32 $0xFFFF0000, v10;
	s14 =	sshll.u32 s20, $0x2  }
0x8a: {  	s13 =	sand.u32 $0x4000, s13;
	v11 =	vor.u32 v11, v13;
	v10 =	vor.u32 v12, v10;
	s20 =	sand.u32 $0x3C00, s19;
	s22 =	sand.u32 $0x3FFFFF80, s14  }
0x8b: {  	s12 =	sand.u32 $0x300, s12;
	s14 =	sand.u32 $0x40, s16;
	s13 =	sor.u32 s20, s13;
	[tilespmem:s15+$0x0] =	vst v11  }
0x8c: {  	s23 =	sor.u32 s12, s13;
	s13 =	sor.u32 $0x20, s14;
	s15 =	sor.u32 $0x10, s14;
	[tilespmem:s21+$0x0] =	vst v10  }
0x8d: {  	s12 =	sor.u32 $0x30, s14;
	s24 =	sor.u32 $0x80, s23;
	s21 =	sor.u32 s14, s23;
	[tilespmem:s17+$0x0] =	vst v14  }
0x8e: {  	s25 =	sor.u32 s13, s23;
	s26 =	sor.u32 s15, s24;
	s17 =	sor.u32 s14, s24  }
0x8f: {  	s28 =	sor.u32 s15, s23;
	s23 =	sor.u32 s12, s23;
	v12 =	vld [tilespmem:s17+$0x0];
	s17 =	sor.u32 s12, s24  }
0x90: {  	s24 =	sor.u32 s13, s24;
	v13 =	vld [tilespmem:s17+$0x0];
	s17 =	sadd.s32 s22, s20  }
0x91: {  	v15 =	vld [tilespmem:s24+$0x0]  }
0x92: {  	v14 =	vld [tilespmem:s26+$0x0];
	_ =	sdelay $0x1  }
0x93: {  	v19 =	vld [tilespmem:s28+$0x0];
	v10 =	vand.u32 $0x7FFFFFFF, v12  }
0x94: {  	v16 =	vld [tilespmem:s23+$0x0];
	v11 =	vand.u32 $0x7FFFFFFF, v13  }
0x95: {  	v20 =	vld [tilespmem:s21+$0x0];
	v17 =	vand.u32 $0x7FFFFFFF, v15  }
0x96: {  	v21 =	vld [tilespmem:s25+$0x0];
	v18 =	vand.u32 $0x7FFFFFFF, v14;
	v11 =	vmax.f32 v17, v11  }
0x97: {  	v10 =	vmax.f32 v10, v18  }
0x98: {  	v10 =	vmax.f32 v10, v11  }
0x99: {  	v11 =	vperm.xlane v10, v0  }
0x9a: {  	v18 =	vand.u32 $0x7FFFFFFF, v19;
	v17 =	vand.u32 $0x7FFFFFFF, v20  }
0x9b: {  	v23 =	vand.u32 $0x7FFFFFFF, v16;
	v22 =	vand.u32 $0x7FFFFFFF, v21;
	v10 =	vmax.f32 v10, v11  }
0x9c: {  	v11 =	vmax.f32 v17, v18;
	v17 =	vmax.f32 v22, v23;
	v18 =	vperm.xlane v10, v1  }
0x9d: {  	v11 =	vmax.f32 v11, v17  }
0x9e: {  	v17 =	vperm.xlane v11, v0;
	v10 =	vmax.f32 v10, v18  }
0x9f: {  	v18 =	vperm.xlane v10, v2  }
0xa0: {  	v11 =	vmax.f32 v11, v17  }
0xa1: {  	v17 =	vperm.xlane v11, v1;
	v10 =	vmax.f32 v10, v18  }
0xa2: {  	v18 =	vperm.xlane v10, v3  }
0xa3: {  	v11 =	vmax.f32 v11, v17  }
0xa4: {  	v17 =	vperm.xlane v11, v2;
	v10 =	vmax.f32 v10, v18  }
0xa5: {  	(erf) = vrcp.f32 v10  }
0xa6: {  	v11 =	vmax.f32 v11, v17  }
0xa7: {  	v17 =	vperm.xlane v11, v3;
	_ =	sdelay $0x1  }
0xa8: {  	v11 =	vmax.f32 v11, v17  }
0xa9: {  	(erf) = vrcp.f32 v11;
	_ =	sdelay $0x3  }
0xaa: {  	v17 =	vpop (erf)  }
0xab: {  	v22 =	vmul.f32 v17, v12;
	v14 =	vmul.f32 v17, v14  }
0xac: {  	v12 =	vmul.f32 v17, v15;
	v13 =	vmul.f32 v17, v13  }
0xad: {  	vm0 =	vgt.f32 v22, v5;
	vm1 =	vgt.f32 v14, v5  }
0xae: {  	v15 =	vsel vm0, $0x3, v6;
	v17 =	vsel vm1, $0x3, v6;
	v23 =	vsel vm1, $0x6, v7  }
0xaf: {  	vm1 =	vgt.f32 v12, v5;
	v15 =	vperm.xlane v4, v15;
	v17 =	vperm.xlane v4, v17;
	v24 =	vpop (erf)  }
0xb0: {  	v18 =	vmul.f32 v24, v16;
	v16 =	vsel vm0, $0x6, v7;
	vm0 =	vgt.f32 v13, v5  }
0xb1: {  	vm2 =	vgt.f32 v22, v15;
	vm3 =	vgt.f32 v14, v17;
	v32 =	vsel vm0, $0x6, v7  }
0xb2: {  	v17 =	vmul.f32 v24, v21;
	v15 =	vsel vm2, $0x1, v8;
	v21 =	vsel vm3, $0x1, v8  }
0xb3: {  	v15 =	vor.u32 v15, v16;
	v21 =	vor.u32 v21, v23;
	v23 =	vsel vm1, $0x3, v6  }
0xb4: {  	v25 =	vperm.xlane v4, v15;
	v16 =	vshll.u32 v21, $0x1;
	v23 =	vperm.xlane v4, v23  }
0xb5: {  	v27 =	vsel vm1, $0x6, v7;
	vm3 =	vgt.f32 v17, v5;
	v26 =	vshll.u32 v15, $0x1  }
0xb6: {  	v15 =	vmul.f32 v24, v19;
	vm1 =	vgt.f32 v22, v25;
	vm4 =	vgt.f32 v12, v23  }
0xb7: {  	v19 =	vmul.f32 v24, v20;
	v23 =	vsel vm0, $0x3, v6;
	v20 =	vsel vm1, $0x1, v8  }
0xb8: {  	v24 =	vsel vm3, $0x3, v6;
	v21 =	vperm.xlane v4, v21;
	v20 =	vor.u32 v20, v26  }
0xb9: {  	vm0 =	vgt.f32 v19, v5;
	vm2 =	vgt.f32 v15, v5;
	v23 =	vperm.xlane v4, v23  }
0xba: {  	v25 =	vsel vm3, $0x6, v7;
	v28 =	vsel vm4, $0x1, v8;
	v26 =	vperm.xlane v4, v20  }
0xbb: {  	v29 =	vsel vm0, $0x3, v6;
	v20 =	vshll.u32 v20, $0x1;
	vm1 =	vgt.f32 v13, v23  }
0xbc: {  	v24 =	vperm.xlane v4, v24;
	v23 =	vsel vm2, $0x3, v6;
	v33 =	vsel vm1, $0x1, v8  }
0xbd: {  	v29 =	vperm.xlane v4, v29;
	vm1 =	vgt.f32 v18, v5;
	vm3 =	vgt.f32 v22, v26  }
0xbe: {  	v26 =	vsel vm0, $0x6, v7;
	v22 =	vperm.xlane v4, v23;
	v30 =	vsel vm1, $0x6, v7  }
0xbf: {  	v27 =	vor.u32 v28, v27;
	vm4 =	vgt.f32 v19, v29;
	v23 =	vsel vm3, $0x1, v8  }
0xc0: {  	vm0 =	vgt.f32 v14, v21;
	vm3 =	vgt.f32 v17, v24;
	v24 =	vsel vm1, $0x3, v6  }
0xc1: {  	v21 =	vor.u32 v23, v20;
	v23 =	vperm.xlane v4, v27;
	v20 =	vshll.u32 v27, $0x1  }
0xc2: {  	v27 =	vsel vm3, $0x1, v8;
	v28 =	vperm.xlane v4, v24  }
.Ltmp0:
0xc3: {  	v29 =	vsel vm4, $0x1, v8;
	v21 =	vperm.xlane v9, v21;
	vm1 =	vgt.f32 v12, v23;
	(pc) =	sbr.rel @p0 .LBB2_3-.Ltmp0, $4  }
0xc4: {  	v24 =	vsel vm2, $0x6, v7;
	v27 =	vor.u32 v27, v25;
	vm2 =	vgt.f32 v18, v28  }
0xc5: {  	v29 =	vor.u32 v29, v26;
	v28 =	vsel vm2, $0x1, v8;
	v23 =	vmul.f32 v21, v10  }
0xc6: {  	v25 =	vshll.u32 v29, $0x1;
	v26 =	vperm.xlane v4, v27;
	v28 =	vor.u32 v28, v30  }
0xc7: {  	v21 =	vor.u32 v33, v32;
	v30 =	vperm.xlane v4, v28;
	v31 =	vshrl.u32 v23, $0x10  }
0xc8: {  	v29 =	vperm.xlane v4, v29;
	vm2 =	vgt.f32 v15, v22;
	v51 =	vand.u32 $0x1, v31  }
0xc9: {  	v27 =	vshll.u32 v27, $0x1;
	v28 =	vshll.u32 v28, $0x1;
	vm6 =	vgt.f32 v17, v26  }
0xca: {  	v63 =	vperm.xlane v4, v21;
	v34 =	vsel vm1, $0x1, v8;
	v35 =	vsel vm0, $0x1, v8  }
0xcb: {  	v37 =	vshll.u32 v21, $0x1;
	v52 =	vsel vm2, $0x1, v8;
	vm15 =	vgt.f32 v18, v30  }
0xcc: {  	v57 =	vsel vm6, $0x1, v8;
	v22 =	vadd.s32 v51, v23;
	v16 =	vor.u32 v35, v16  }
0xcd: {  	v20 =	vor.u32 v34, v20;
	vm3 =	vgt.f32 v19, v29;
	v53 =	vsel vm15, $0x1, v8  }
0xce: {  	v24 =	vor.u32 v52, v24;
	v59 =	vadd.s32 $0x7FFF, v22;
	v30 =	vor.u32 v57, v27  }
0xcf: {  	vm11 =	vgt.f32 v13, v63;
	v39 =	vshll.u32 v16, $0x1;
	v16 =	vperm.xlane v4, v16  }
0xd0: {  	v44 =	vperm.xlane v4, v20;
	v50 =	vshll.u32 v20, $0x1;
	v54 =	vsel vm3, $0x1, v8  }
0xd1: {  	v28 =	vor.u32 v53, v28;
	v55 =	vshll.u32 v24, $0x1;
	v24 =	vperm.xlane v4, v24  }
0xd2: {  	v33 =	vshll.u32 v30, $0x1;
	v38 =	vsel vm11, $0x1, v8;
	v56 =	vperm.xlane v4, v28  }
0xd3: {  	v25 =	vor.u32 v54, v25;
	v62 =	vshll.u32 v28, $0x1;
	v21 =	vor.u32 v38, v37  }
0xd4: {  	vm13 =	vgt.f32 v14, v16;
	vm14 =	vgt.f32 v12, v44;
	v58 =	vperm.xlane v4, v25  }
0xd5: {  	v60 =	vshll.u32 v25, $0x1;
	vm9 =	vgt.f32 v15, v24;
	v42 =	vperm.xlane v4, v21  }
0xd6: {  	v46 =	vsel vm13, $0x1, v8;
	v21 =	vshll.u32 v21, $0x1;
	v53 =	vsel vm14, $0x1, v8  }
0xd7: {  	vm7 =	vgt.f32 v18, v56;
	v18 =	vand.u32 $0xFFFF0000, v59;
	v24 =	vsel vm9, $0x1, v8  }
0xd8: {  	v48 =	vor.u32 v46, v39;
	v61 =	vsel vm7, $0x1, v8;
	vm8 =	vgt.f32 v19, v58  }
0xd9: {  	v19 =	vperm.xlane v4, v30;
	v36 =	vor.u32 v24, v55;
	vm15 =	vgt.f32 v13, v42  }
0xda: {  	v13 =	vperm.xlane v9, v48;
	v31 =	vor.u32 v61, v62;
	v32 =	vsel vm8, $0x1, v8  }
0xdb: {  	v24 =	vperm.xlane v4, v36;
	v49 =	vsel vm15, $0x1, v8;
	vm10 =	vgt.f32 v17, v19  }
0xdc: {  	v22 =	vor.u32 v32, v60;
	v23 =	vperm.xlane v9, v31;
	v19 =	vsel vm10, $0x1, v8  }
0xdd: {  	v17 =	vshll.u32 v36, $0x1;
	v13 =	vmul.f32 v13, v10;
	v19 =	vor.u32 v19, v33  }
0xde: {  	v14 =	vor.u32 v49, v21;
	v22 =	vperm.xlane v9, v22;
	v19 =	vperm.xlane v9, v19  }
0xdf: {  	vm12 =	vgt.f32 v15, v24;
	v14 =	vperm.xlane v9, v14;
	v23 =	vmul.f32 v23, v11  }
0xe0: {  	v41 =	vsel vm12, $0x1, v8;
	v55 =	vshrl.u32 v13, $0x10;
	v40 =	vmul.f32 v19, v11  }
0xe1: {  	v51 =	vmul.f32 v22, v11;
	v17 =	vor.u32 v41, v17;
	v14 =	vmul.f32 v14, v10  }
0xe2: {  	v52 =	vshrl.u32 v23, $0x10;
	v17 =	vperm.xlane v9, v17;
	v43 =	vshrl.u32 v40, $0x10  }
0xe3: {  	v19 =	vand.u32 $0x1, v52;
	v54 =	vshrl.u32 v51, $0x10;
	v45 =	vand.u32 $0x1, v43  }
0xe4: {  	v58 =	vshrl.u32 v14, $0x10;
	v19 =	vadd.s32 v19, v23;
	v15 =	vadd.s32 v45, v40  }
0xe5: {  	v11 =	vmul.f32 v17, v11;
	v47 =	vadd.s32 $0x7FFF, v15;
	v15 =	vor.u32 v53, v50  }
0xe6: {  	v17 =	vand.u32 $0x1, v55;
	v56 =	vand.u32 $0x1, v54;
	v15 =	vperm.xlane v9, v15  }
0xe7: {  	v59 =	vand.u32 $0x1, v58;
	v16 =	vadd.s32 v56, v51;
	v19 =	vadd.s32 $0x7FFF, v19  }
0xe8: {  	v14 =	vadd.s32 v59, v14;
	v13 =	vadd.s32 v17, v13;
	v10 =	vmul.f32 v15, v10  }
0xe9: {  	v57 =	vshrl.u32 v11, $0x10;
	v16 =	vadd.s32 $0x7FFF, v16;
	v13 =	vadd.s32 $0x7FFF, v13  }
0xea: {  	v14 =	vadd.s32 $0x7FFF, v14;
	v60 =	vand.u32 $0x1, v57;
	v61 =	vshrl.u32 v10, $0x10  }
0xeb: {  	v16 =	vshrl.u32 v16, $0x10;
	v11 =	vadd.s32 v60, v11;
	v62 =	vand.u32 $0x1, v61  }
0xec: {  	s16 =	sadd.s32 $0x8000, s17;
	v13 =	vand.u32 $0xFFFF0000, v13;
	v11 =	vadd.s32 $0x7FFF, v11;
	v10 =	vadd.s32 v62, v10  }
0xed: {  	s14 =	sor.u32 s14, s16;
	v16 =	vor.u32 v16, v18;
	v11 =	vshrl.u32 v11, $0x10;
	v10 =	vadd.s32 $0x7FFF, v10  }
0xee: {  	s15 =	sor.u32 s15, s16;
	v12 =	vshrl.u32 v47, $0x10;
	[tilespmem:s14+$0x0] =	vst v16;
	v11 =	vor.u32 v11, v13;
	v10 =	vand.u32 $0xFFFF0000, v10  }
0xef: {  	s10 =	sadd.s32 $0x1, s10;
	s13 =	sor.u32 s13, s16;
	v63 =	vshrl.u32 v19, $0x10;
	v14 =	vand.u32 $0xFFFF0000, v14;
	[tilespmem:s15+$0x0] =	vst v11;
	v10 =	vor.u32 v12, v10  }
0xf0: {  	s11 =	sshll.u32 s11, $0x7;
	s12 =	sor.u32 s12, s16;
	p0 =	sne.s32 s10, $0x3;
	v11 =	vor.u32 v63, v14;
	[tilespmem:s13+$0x0] =	vst v10  }
.Ltmp1:
0xf1: {  	s11 =	sadd.s32 s2, s11;
	[tilespmem:s12+$0x0] =	vst v11;
	(pc) =	sbr.rel @p0 .LBB2_2-.Ltmp1, $4  }
0xf2: {  	[hbm4b:s11+s4] =	stream.linear.scatter [tilespmem:s8], [sflag:$0x1], $0x4000, $0x38;
	[tilespmem:$0xC000] =	vst v63  }
0xf3: {  	_ =	swait.ge [sflag:s7], $0x4000  }
0xf4: {  	[sflag:s7] =	ssyncset.done $0x0  }
0xf5: {  	[sflag:s7] =	ssyncadd.s32 $0xFFFFC000  }
0xf6: {  	s9 =	sadd.s32 $0x1, s9  }
0xf7: {  	p0 =	sne.s32 s9, s6  }
.Ltmp2:
0xf8: {  	_ = 	snop;
	(pc) =	sbr.rel @p0 .LBB2_1-.Ltmp2, $1  }
0xf9: {  	_ =	sdelay $0x3  }
0xfa: {  	_ =	sfence.sel $0x180000  }
0xfb: {  	[bflag:$0x0] =	sbarrier.arrive $0xFFFF  }
0xfc: {  	p0 =	sne.s32 s3, $0x0;
	_ =	strace $0x90000047  }
0xfd: {  	s0 =	sadd.s32 @!p0 $0x100000, s1;
	[bflag:$0x2] =	sbarrier.arrive $0xFFFF  }
0xfe: {  	[sflag:s0] =	ssyncadd.tile.s32 @!p0 $0x1;
	_ =	shalt  }
.Lfunc_end2:
_tile_overlayer_lowered:
.L_overlay_start_2:
0xff: {  	(tag) =	ssettag $0x2  }
0x100: {  	s0 =	rddreg [dreg:$0x0];
	s2 =	stileid.u32  }
0x101: {  	s1 =	rddreg [dreg:$0x1];
	p0 =	sne.s32 s2, $0x0  }
0x102: {  	s3 =	rddreg [dreg:$0x2];
	[bflag:$0x3] =	sbarrier.arrive $0xFFFF;
	s2 =	simm.s32 @!p0 $0x1C01  }
0x103: {  	[timem:s3], [sflag:s2] =	dma.local @!p0 [hbm:s0], s1  }
0x104: {  	s0 =	simm.s32 @!p0 $0x1  }
0x105: {  	_ =	swait.ge @!p0 [sflag:s0], s1  }
0x106: {  	s1 =	ssub.s32 @!p0 $0x0, s1;
	[sflag:s0] =	ssyncset.done @!p0 $0x0  }
0x107: {  	[sflag:s0] =	ssyncadd.s32 @!p0 s1  }
0x108: {  	[bflag:$0x3] =	sbarrier.arrive $0xFFFF  }
0x109: {  	_ =	shalt  }

</sc_bundles>
